<compile_context>
chip_gen: v7x
topology: tpu7x:2x2x1
jax: 0.10.2.dev20260603
libtpu: 0.0.44.dev20260713+nightly
codegen_flags: <defaults>
</compile_context>

<pallas_src>
import functools

import jax
import jax.numpy as jnp
from jax import lax
from jax.experimental import pallas as pl
from jax.experimental.pallas import tpu as pltpu
from jax.experimental.pallas import tpu_sc as plsc

NC = 2
NS = 16
NW = NC * NS
L = 16
D = 64
C = 128

ROWS = 4097 + 65 + 3 * 128


def _tec_body(steps, arr_h, big_h, out_h,
              ib0, ib1, rb0, rb1, ob0, ob1, sbig,
              q00, q01, q02, q03, q10, q11, q12, q13,
              osem0, osem1, isem):
    sid = lax.axis_index("s")
    wid = sid * NC + lax.axis_index("c")
    tpw = steps * C
    ibufs = (ib0, ib1)
    rbufs = (rb0, rb1)
    obufs = (ob0, ob1)
    qsems = ((q00, q01, q02, q03), (q10, q11, q12, q13))
    osems = (osem0, osem1)

    @pl.when(sid == 0)
    def _():
        pltpu.sync_copy(big_h, sbig)

    plsc.subcore_barrier()

    def fire_idx(g, bi):
        pltpu.async_copy(arr_h.at[wid, g], ibufs[bi], isem)

    def drain_idx(bi):
        pltpu.make_async_copy(arr_h.at[0, 0], ibufs[bi], isem).wait()

    H = 5 * C // 4

    def fire(g, b):
        ib = ibufs[b % 2]
        for q in range(4):
            pltpu.async_copy(sbig.at[ib.at[pl.ds(q * H, H)]],
                             rbufs[b].at[pl.ds(q * H, H)], qsems[b][q])

    def drain_gathers(b):
        for q in range(4):
            pltpu.make_async_copy(big_h.at[pl.ds(0, H)],
                                  rbufs[b].at[pl.ds(q * H, H)],
                                  qsems[b][q]).wait()

    def drain_out(b):
        pltpu.make_async_copy(obufs[b], out_h.at[pl.ds(0, C)],
                              osems[b]).wait()

    fire_idx(0, 0)
    drain_idx(0)
    fire(0, 0)
    fire_idx(1, 1)

    def outer(i, carry):
        g0 = i * 2
        for b in range(2):
            gg = g0 + b

            @pl.when(gg + 1 < steps)
            def _():
                drain_idx(1 - (b % 2))
                fire(gg + 1, 1 - b)

            drain_gathers(b)

            @pl.when(gg + 2 < steps)
            def _():
                fire_idx(gg + 2, b % 2)

            @pl.when(gg >= 2)
            def _():
                drain_out(b)

            rb = rbufs[b]
            ob = obufs[b]

            def add2(t2, c2):
                t = t2 * 2
                for u in range(2):
                    tt = t + u
                    for j in range(D // L):
                        s2 = pl.ds(j * L, L)
                        ob[tt, s2] = (rb[tt, s2] + rb[C + tt, s2]) \
                            + (rb[2 * C + tt, s2] + rb[3 * C + tt, s2]) \
                            + rb[4 * C + tt, s2]
                return c2

            lax.fori_loop(0, C // 2, add2, 0)
            pltpu.async_copy(ob, out_h.at[pl.ds(wid * tpw + gg * C, C)],
                             osems[b])
        return carry

    lax.fori_loop(0, steps // 2, outer, 0)
    drain_out(0)
    drain_out(1)


def kernel(value, depth, position, value_table, depth_table, pos_tables):
    n = value.size
    tpw = n // NW
    steps = tpw // C
    vflat = value.reshape(-1).astype(jnp.int32)
    dflat = depth.reshape(-1).astype(jnp.int32)
    pflat = position.reshape(-1, 3).astype(jnp.int32)
    idx5 = jnp.stack([vflat, dflat + 4097, pflat[:, 0] + 4162,
                      pflat[:, 1] + 4290, pflat[:, 2] + 4418])
    arr = idx5.reshape(5, NW, steps, C).transpose(1, 2, 0, 3) \
        .reshape(NW, steps, 5 * C)
    big = jnp.concatenate(
        [value_table.astype(jnp.float32), depth_table.astype(jnp.float32),
         pos_tables[0], pos_tables[1], pos_tables[2]], axis=0)

    mesh = plsc.VectorSubcoreMesh(core_axis_name="c", subcore_axis_name="s")
    run = functools.partial(
        pl.kernel,
        mesh=mesh,
        out_type=jax.ShapeDtypeStruct((n, D), jnp.float32),
        scratch_types=[pltpu.VMEM((5 * C,), jnp.int32) for _ in range(2)]
        + [pltpu.VMEM((5 * C, D), jnp.float32) for _ in range(2)]
        + [pltpu.VMEM((C, D), jnp.float32) for _ in range(2)]
        + [pltpu.VMEM_SHARED((ROWS, D), jnp.float32)]
        + [pltpu.SemaphoreType.DMA for _ in range(11)],
        compiler_params=pltpu.CompilerParams(use_tc_tiling_on_sc=False),
    )(functools.partial(_tec_body, steps))
    out = run(arr, big)
    return out.reshape(value.shape + (D,))

# --- scband reference (transcript-rebuilt; emitter-appended) ---
"""Pipeline reference for scband-basic-embedding-a-57002805953097 (READ-ONLY COPY).

The authoritative reference and input builder live on the scoring server;
editing this copy changes nothing except your own understanding.
"""

import jax, jax.numpy as jnp
import numpy as np

NUM_VOCAB = 4096
EMBED_DIM = 64
RESOLUTION = 64
SPATIAL_DIM = 3
B, S = 32, 8192


def setup_inputs(seed: int = 0) -> dict:
    key = jax.random.key(seed)
    ks = jax.random.split(key, 8)
    value = jax.random.randint(ks[0], (B, S), 0, NUM_VOCAB + 1)
    depth = jax.random.randint(ks[1], (B, S), 0, RESOLUTION + 1)
    position = jax.random.randint(ks[2], (B, S, SPATIAL_DIM), 0, 2 * RESOLUTION)
    # learned embedding tables; row 0 is the padding row (zeros, like padding_idx=0)
    value_table = jax.random.normal(ks[3], (NUM_VOCAB + 1, EMBED_DIM), dtype=jnp.float32) * 0.02
    value_table = value_table.at[0].set(0.0)
    depth_table = jax.random.normal(ks[4], (RESOLUTION + 1, EMBED_DIM), dtype=jnp.float32) * 0.02
    depth_table = depth_table.at[0].set(0.0)
    pos_tables = jax.random.normal(ks[5], (SPATIAL_DIM, 2 * RESOLUTION, EMBED_DIM), dtype=jnp.float32) * 0.02
    pos_tables = pos_tables.at[:, 0, :].set(0.0)
    return {
        "value": value,
        "depth": depth,
        "position": position,
        "value_table": value_table,
        "depth_table": depth_table,
        "pos_tables": pos_tables,
    }


def reference(value, depth, position, value_table, depth_table, pos_tables):
    # value embedding with padding token '0' (no gradient through padding rows)
    x = jnp.where((value != 0)[..., None], jnp.take(value_table, value, axis=0), 0.0)
    # depth embedding
    x = x + jnp.where((depth != 0)[..., None], jnp.take(depth_table, depth, axis=0), 0.0)
    # one spatial embedding per axis, summed
    for axis in range(SPATIAL_DIM):
        p = position[..., axis]
        x = x + jnp.where((p != 0)[..., None], jnp.take(pos_tables[axis], p, axis=0), 0.0)
    return x

if __name__ == "__main__":
    import jax
    _d = setup_inputs()
    print(jax.jit(kernel)(*tuple(_d.values())))

</pallas_src>

<mosaic_0001>
#map = affine_map<(d0, d1) -> (0, 0, 0)>
#map1 = affine_map<(d0, d1) -> (0, 0)>
module attributes {stable_mosaic.version = 14 : i64} {
  func.func @_tec_body(%arg0: i32, %arg1: i32, %arg2: memref<32x64x640xi32, #tpu.memory_space<hbm>>, %arg3: memref<4546x64xf32, #tpu.memory_space<hbm>>, %arg4: memref<262144x64xf32, #tpu.memory_space<hbm>>, %arg5: memref<640xi32, #tpu.memory_space<vmem>>, %arg6: memref<640xi32, #tpu.memory_space<vmem>>, %arg7: memref<640x64xf32, #tpu.memory_space<vmem>>, %arg8: memref<640x64xf32, #tpu.memory_space<vmem>>, %arg9: memref<128x64xf32, #tpu.memory_space<vmem>>, %arg10: memref<128x64xf32, #tpu.memory_space<vmem>>, %arg11: memref<4546x64xf32, #tpu.memory_space<vmem_shared>>, %arg12: memref<!tpu.dma_semaphore, #tpu.memory_space<semaphore_mem>>, %arg13: memref<!tpu.dma_semaphore, #tpu.memory_space<semaphore_mem>>, %arg14: memref<!tpu.dma_semaphore, #tpu.memory_space<semaphore_mem>>, %arg15: memref<!tpu.dma_semaphore, #tpu.memory_space<semaphore_mem>>, %arg16: memref<!tpu.dma_semaphore, #tpu.memory_space<semaphore_mem>>, %arg17: memref<!tpu.dma_semaphore, #tpu.memory_space<semaphore_mem>>, %arg18: memref<!tpu.dma_semaphore, #tpu.memory_space<semaphore_mem>>, %arg19: memref<!tpu.dma_semaphore, #tpu.memory_space<semaphore_mem>>, %arg20: memref<!tpu.dma_semaphore, #tpu.memory_space<semaphore_mem>>, %arg21: memref<!tpu.dma_semaphore, #tpu.memory_space<semaphore_mem>>, %arg22: memref<!tpu.dma_semaphore, #tpu.memory_space<semaphore_mem>>) attributes {dimension_semantics = [#tpu.dimension_semantics<core_parallel>, #tpu.dimension_semantics<subcore_parallel>], iteration_bounds = array<i64: 2, 16>, scalar_prefetch = 0 : i64, scratch_operands = 18 : i64, tpu.core_type = #tpu.core_type<sc_vector_subcore>, window_params = [{transform_indices = #map}, {transform_indices = #map1}, {transform_indices = #map1}]} {
    %mul3A = arith.constant 2 : i32
    %mul3A_0 = arith.muli %arg1, %mul3A : i32
    %add3A = arith.addi %mul3A_0, %arg0 : i32
    %eq3A = arith.constant 0 : i32
    %eq3A_1 = arith.cmpi eq, %arg1, %eq3A : i32
    %convert_element_type3A = arith.extui %eq3A_1 : i1 to i32
    %cond3A = arith.constant 0 : i32
    %cond3A_2 = arith.cmpi ne, %convert_element_type3A, %cond3A : i32
    scf.if %cond3A_2 {
      "tpu.region"() ({
        %run_scoped3A = tpu.sem_alloc : memref<!tpu.dma_semaphore, #tpu.memory_space<semaphore_mem>>
        tpu.enqueue_dma source(%arg3 : memref<4546x64xf32, #tpu.memory_space<hbm>>) target(%arg11 : memref<4546x64xf32, #tpu.memory_space<vmem_shared>>) target_semaphore(%run_scoped3A : memref<!tpu.dma_semaphore, #tpu.memory_space<semaphore_mem>>)
        tpu.wait_dma2 semaphore(%run_scoped3A : memref<!tpu.dma_semaphore, #tpu.memory_space<semaphore_mem>>) src(%arg3 : memref<4546x64xf32, #tpu.memory_space<hbm>>) dst(%arg11 : memref<4546x64xf32, #tpu.memory_space<vmem_shared>>)
        tpu.yield
      }) : () -> ()
    } else {
    }
    %barrier3A = arith.constant 0 : index
    tpu.barrier barrier_id(%barrier3A)
    %dma_start3A = arith.constant 0 : i32
    %dma_start3A_3 = arith.constant 0 : i32
    %dma_start3A_4 = tpu.memref_slice %arg2[%add3A, %dma_start3A, %dma_start3A_3] : memref<32x64x640xi32, #tpu.memory_space<hbm>> -> memref<1x1x640xi32, #tpu.memory_space<hbm>>
    %dma_start3A_5 = tpu.memref_squeeze %dma_start3A_4 : memref<1x1x640xi32, #tpu.memory_space<hbm>> -> memref<640xi32, #tpu.memory_space<hbm>>
    %dma_start3A_6 = arith.constant 0 : i32
    %dma_start3A_7 = tpu.memref_slice %arg2[%add3A, %dma_start3A, %dma_start3A_6] : memref<32x64x640xi32, #tpu.memory_space<hbm>> -> memref<1x1x640xi32, #tpu.memory_space<hbm>>
    %dma_start3A_8 = tpu.memref_squeeze %dma_start3A_7 : memref<1x1x640xi32, #tpu.memory_space<hbm>> -> memref<640xi32, #tpu.memory_space<hbm>>
    tpu.enqueue_dma source(%dma_start3A_8 : memref<640xi32, #tpu.memory_space<hbm>>) target(%arg5 : memref<640xi32, #tpu.memory_space<vmem>>) target_semaphore(%arg22 : memref<!tpu.dma_semaphore, #tpu.memory_space<semaphore_mem>>)
    %dma_wait3A = arith.constant 0 : i32
    %dma_wait3A_9 = arith.constant 0 : i32
    %dma_wait3A_10 = arith.constant 0 : i32
    %dma_wait3A_11 = tpu.memref_slice %arg2[%dma_wait3A, %dma_wait3A_9, %dma_wait3A_10] : memref<32x64x640xi32, #tpu.memory_space<hbm>> -> memref<1x1x640xi32, #tpu.memory_space<hbm>>
    %dma_wait3A_12 = tpu.memref_squeeze %dma_wait3A_11 : memref<1x1x640xi32, #tpu.memory_space<hbm>> -> memref<640xi32, #tpu.memory_space<hbm>>
    %dma_wait3A_13 = arith.constant 0 : i32
    %dma_wait3A_14 = tpu.memref_slice %arg2[%dma_wait3A, %dma_wait3A_9, %dma_wait3A_13] : memref<32x64x640xi32, #tpu.memory_space<hbm>> -> memref<1x1x640xi32, #tpu.memory_space<hbm>>
    %dma_wait3A_15 = tpu.memref_squeeze %dma_wait3A_14 : memref<1x1x640xi32, #tpu.memory_space<hbm>> -> memref<640xi32, #tpu.memory_space<hbm>>
    tpu.wait_dma2 semaphore(%arg22 : memref<!tpu.dma_semaphore, #tpu.memory_space<semaphore_mem>>) src(%dma_wait3A_15 : memref<640xi32, #tpu.memory_space<hbm>>) dst(%arg5 : memref<640xi32, #tpu.memory_space<vmem>>)
    %dma_start3A_16 = arith.constant 0 : i32
    %dma_start3A_17 = arith.constant 0 : i32
    %dma_start3A_18 = tpu.memref_slice %arg7[%dma_start3A_16, %dma_start3A_17] : memref<640x64xf32, #tpu.memory_space<vmem>> -> memref<160x64xf32, #tpu.memory_space<vmem>>
    %dma_start3A_19 = arith.constant 0 : i32
    %dma_start3A_20 = tpu.memref_slice %arg5[%dma_start3A_19] : memref<640xi32, #tpu.memory_space<vmem>> -> memref<160xi32, #tpu.memory_space<vmem>>
    %dma_start3A_21 = arith.constant 0 : i32
    %dma_start3A_22 = arith.constant 0 : i32
    %dma_start3A_23 = tpu.memref_slice %arg11[%dma_start3A_21, %dma_start3A_22] : memref<4546x64xf32, #tpu.memory_space<vmem_shared>> -> memref<4546x64xf32, #tpu.memory_space<vmem_shared>>
    tpu.enqueue_indirect_dma source(%dma_start3A_23 : memref<4546x64xf32, #tpu.memory_space<vmem_shared>>) target(%dma_start3A_18 : memref<160x64xf32, #tpu.memory_space<vmem>>) offsets(%dma_start3A_20 : memref<160xi32, #tpu.memory_space<vmem>>) semaphore(%arg12 : memref<!tpu.dma_semaphore, #tpu.memory_space<semaphore_mem>>)
    %dma_start3A_24 = arith.constant 160 : i32
    %dma_start3A_25 = arith.constant 0 : i32
    %dma_start3A_26 = tpu.memref_slice %arg7[%dma_start3A_24, %dma_start3A_25] : memref<640x64xf32, #tpu.memory_space<vmem>> -> memref<160x64xf32, #tpu.memory_space<vmem>>
    %dma_start3A_27 = arith.constant 160 : i32
    %dma_start3A_28 = tpu.memref_slice %arg5[%dma_start3A_27] : memref<640xi32, #tpu.memory_space<vmem>> -> memref<160xi32, #tpu.memory_space<vmem>>
    %dma_start3A_29 = arith.constant 0 : i32
    %dma_start3A_30 = arith.constant 0 : i32
    %dma_start3A_31 = tpu.memref_slice %arg11[%dma_start3A_29, %dma_start3A_30] : memref<4546x64xf32, #tpu.memory_space<vmem_shared>> -> memref<4546x64xf32, #tpu.memory_space<vmem_shared>>
    tpu.enqueue_indirect_dma source(%dma_start3A_31 : memref<4546x64xf32, #tpu.memory_space<vmem_shared>>) target(%dma_start3A_26 : memref<160x64xf32, #tpu.memory_space<vmem>>) offsets(%dma_start3A_28 : memref<160xi32, #tpu.memory_space<vmem>>) semaphore(%arg13 : memref<!tpu.dma_semaphore, #tpu.memory_space<semaphore_mem>>)
    %dma_start3A_32 = arith.constant 320 : i32
    %dma_start3A_33 = arith.constant 0 : i32
    %dma_start3A_34 = tpu.memref_slice %arg7[%dma_start3A_32, %dma_start3A_33] : memref<640x64xf32, #tpu.memory_space<vmem>> -> memref<160x64xf32, #tpu.memory_space<vmem>>
    %dma_start3A_35 = arith.constant 320 : i32
    %dma_start3A_36 = tpu.memref_slice %arg5[%dma_start3A_35] : memref<640xi32, #tpu.memory_space<vmem>> -> memref<160xi32, #tpu.memory_space<vmem>>
    %dma_start3A_37 = arith.constant 0 : i32
    %dma_start3A_38 = arith.constant 0 : i32
    %dma_start3A_39 = tpu.memref_slice %arg11[%dma_start3A_37, %dma_start3A_38] : memref<4546x64xf32, #tpu.memory_space<vmem_shared>> -> memref<4546x64xf32, #tpu.memory_space<vmem_shared>>
    tpu.enqueue_indirect_dma source(%dma_start3A_39 : memref<4546x64xf32, #tpu.memory_space<vmem_shared>>) target(%dma_start3A_34 : memref<160x64xf32, #tpu.memory_space<vmem>>) offsets(%dma_start3A_36 : memref<160xi32, #tpu.memory_space<vmem>>) semaphore(%arg14 : memref<!tpu.dma_semaphore, #tpu.memory_space<semaphore_mem>>)
    %dma_start3A_40 = arith.constant 480 : i32
    %dma_start3A_41 = arith.constant 0 : i32
    %dma_start3A_42 = tpu.memref_slice %arg7[%dma_start3A_40, %dma_start3A_41] : memref<640x64xf32, #tpu.memory_space<vmem>> -> memref<160x64xf32, #tpu.memory_space<vmem>>
    %dma_start3A_43 = arith.constant 480 : i32
    %dma_start3A_44 = tpu.memref_slice %arg5[%dma_start3A_43] : memref<640xi32, #tpu.memory_space<vmem>> -> memref<160xi32, #tpu.memory_space<vmem>>
    %dma_start3A_45 = arith.constant 0 : i32
    %dma_start3A_46 = arith.constant 0 : i32
    %dma_start3A_47 = tpu.memref_slice %arg11[%dma_start3A_45, %dma_start3A_46] : memref<4546x64xf32, #tpu.memory_space<vmem_shared>> -> memref<4546x64xf32, #tpu.memory_space<vmem_shared>>
    tpu.enqueue_indirect_dma source(%dma_start3A_47 : memref<4546x64xf32, #tpu.memory_space<vmem_shared>>) target(%dma_start3A_42 : memref<160x64xf32, #tpu.memory_space<vmem>>) offsets(%dma_start3A_44 : memref<160xi32, #tpu.memory_space<vmem>>) semaphore(%arg15 : memref<!tpu.dma_semaphore, #tpu.memory_space<semaphore_mem>>)
    %dma_start3A_48 = arith.constant 1 : i32
    %dma_start3A_49 = arith.constant 0 : i32
    %dma_start3A_50 = tpu.memref_slice %arg2[%add3A, %dma_start3A_48, %dma_start3A_49] : memref<32x64x640xi32, #tpu.memory_space<hbm>> -> memref<1x1x640xi32, #tpu.memory_space<hbm>>
    %dma_start3A_51 = tpu.memref_squeeze %dma_start3A_50 : memref<1x1x640xi32, #tpu.memory_space<hbm>> -> memref<640xi32, #tpu.memory_space<hbm>>
    %dma_start3A_52 = arith.constant 0 : i32
    %dma_start3A_53 = tpu.memref_slice %arg2[%add3A, %dma_start3A_48, %dma_start3A_52] : memref<32x64x640xi32, #tpu.memory_space<hbm>> -> memref<1x1x640xi32, #tpu.memory_space<hbm>>
    %dma_start3A_54 = tpu.memref_squeeze %dma_start3A_53 : memref<1x1x640xi32, #tpu.memory_space<hbm>> -> memref<640xi32, #tpu.memory_space<hbm>>
    tpu.enqueue_dma source(%dma_start3A_54 : memref<640xi32, #tpu.memory_space<hbm>>) target(%arg6 : memref<640xi32, #tpu.memory_space<vmem>>) target_semaphore(%arg22 : memref<!tpu.dma_semaphore, #tpu.memory_space<semaphore_mem>>)
    %scan3A = arith.constant 0 : i32
    %scan3A_55 = arith.constant 0 : i32
    %scan3A_56 = arith.constant 32 : i32
    %scan3A_57 = arith.addi %scan3A_55, %scan3A_56 : i32
    %scan3A_58 = arith.constant 1 : i32
    scf.for %scan3A_72 = %scan3A_55 to %scan3A_57 step %scan3A_58  : i32 {
      %mul3A_73 = arith.constant 2 : i32
      %mul3A_74 = arith.muli %scan3A_72, %mul3A_73 : i32
      %add3A_75 = arith.constant 0 : i32
      %add3A_76 = arith.addi %mul3A_74, %add3A_75 : i32
      %add3A_77 = arith.constant 1 : i32
      %add3A_78 = arith.addi %add3A_76, %add3A_77 : i32
      %lt3A = arith.constant 64 : i32
      %lt3A_79 = arith.cmpi slt, %add3A_78, %lt3A : i32
      %convert_element_type3A_80 = arith.extui %lt3A_79 : i1 to i32
      %cond3A_81 = arith.constant 0 : i32
      %cond3A_82 = arith.cmpi ne, %convert_element_type3A_80, %cond3A_81 : i32
      scf.if %cond3A_82 {
        %dma_wait3A_241 = arith.constant 0 : i32
        %dma_wait3A_242 = arith.constant 0 : i32
        %dma_wait3A_243 = arith.constant 0 : i32
        %dma_wait3A_244 = tpu.memref_slice %arg2[%dma_wait3A_241, %dma_wait3A_242, %dma_wait3A_243] : memref<32x64x640xi32, #tpu.memory_space<hbm>> -> memref<1x1x640xi32, #tpu.memory_space<hbm>>
        %dma_wait3A_245 = tpu.memref_squeeze %dma_wait3A_244 : memref<1x1x640xi32, #tpu.memory_space<hbm>> -> memref<640xi32, #tpu.memory_space<hbm>>
        %dma_wait3A_246 = arith.constant 0 : i32
        %dma_wait3A_247 = tpu.memref_slice %arg2[%dma_wait3A_241, %dma_wait3A_242, %dma_wait3A_246] : memref<32x64x640xi32, #tpu.memory_space<hbm>> -> memref<1x1x640xi32, #tpu.memory_space<hbm>>
        %dma_wait3A_248 = tpu.memref_squeeze %dma_wait3A_247 : memref<1x1x640xi32, #tpu.memory_space<hbm>> -> memref<640xi32, #tpu.memory_space<hbm>>
        tpu.wait_dma2 semaphore(%arg22 : memref<!tpu.dma_semaphore, #tpu.memory_space<semaphore_mem>>) src(%dma_wait3A_248 : memref<640xi32, #tpu.memory_space<hbm>>) dst(%arg6 : memref<640xi32, #tpu.memory_space<vmem>>)
        %add3A_249 = arith.constant 1 : i32
        %add3A_250 = arith.addi %add3A_76, %add3A_249 : i32
        %dma_start3A_251 = arith.constant 0 : i32
        %dma_start3A_252 = arith.constant 0 : i32
        %dma_start3A_253 = tpu.memref_slice %arg8[%dma_start3A_251, %dma_start3A_252] : memref<640x64xf32, #tpu.memory_space<vmem>> -> memref<160x64xf32, #tpu.memory_space<vmem>>
        %dma_start3A_254 = arith.constant 0 : i32
        %dma_start3A_255 = tpu.memref_slice %arg6[%dma_start3A_254] : memref<640xi32, #tpu.memory_space<vmem>> -> memref<160xi32, #tpu.memory_space<vmem>>
        %dma_start3A_256 = arith.constant 0 : i32
        %dma_start3A_257 = arith.constant 0 : i32
        %dma_start3A_258 = tpu.memref_slice %arg11[%dma_start3A_256, %dma_start3A_257] : memref<4546x64xf32, #tpu.memory_space<vmem_shared>> -> memref<4546x64xf32, #tpu.memory_space<vmem_shared>>
        tpu.enqueue_indirect_dma source(%dma_start3A_258 : memref<4546x64xf32, #tpu.memory_space<vmem_shared>>) target(%dma_start3A_253 : memref<160x64xf32, #tpu.memory_space<vmem>>) offsets(%dma_start3A_255 : memref<160xi32, #tpu.memory_space<vmem>>) semaphore(%arg16 : memref<!tpu.dma_semaphore, #tpu.memory_space<semaphore_mem>>)
        %dma_start3A_259 = arith.constant 160 : i32
        %dma_start3A_260 = arith.constant 0 : i32
        %dma_start3A_261 = tpu.memref_slice %arg8[%dma_start3A_259, %dma_start3A_260] : memref<640x64xf32, #tpu.memory_space<vmem>> -> memref<160x64xf32, #tpu.memory_space<vmem>>
        %dma_start3A_262 = arith.constant 160 : i32
        %dma_start3A_263 = tpu.memref_slice %arg6[%dma_start3A_262] : memref<640xi32, #tpu.memory_space<vmem>> -> memref<160xi32, #tpu.memory_space<vmem>>
        %dma_start3A_264 = arith.constant 0 : i32
        %dma_start3A_265 = arith.constant 0 : i32
        %dma_start3A_266 = tpu.memref_slice %arg11[%dma_start3A_264, %dma_start3A_265] : memref<4546x64xf32, #tpu.memory_space<vmem_shared>> -> memref<4546x64xf32, #tpu.memory_space<vmem_shared>>
        tpu.enqueue_indirect_dma source(%dma_start3A_266 : memref<4546x64xf32, #tpu.memory_space<vmem_shared>>) target(%dma_start3A_261 : memref<160x64xf32, #tpu.memory_space<vmem>>) offsets(%dma_start3A_263 : memref<160xi32, #tpu.memory_space<vmem>>) semaphore(%arg17 : memref<!tpu.dma_semaphore, #tpu.memory_space<semaphore_mem>>)
        %dma_start3A_267 = arith.constant 320 : i32
        %dma_start3A_268 = arith.constant 0 : i32
        %dma_start3A_269 = tpu.memref_slice %arg8[%dma_start3A_267, %dma_start3A_268] : memref<640x64xf32, #tpu.memory_space<vmem>> -> memref<160x64xf32, #tpu.memory_space<vmem>>
        %dma_start3A_270 = arith.constant 320 : i32
        %dma_start3A_271 = tpu.memref_slice %arg6[%dma_start3A_270] : memref<640xi32, #tpu.memory_space<vmem>> -> memref<160xi32, #tpu.memory_space<vmem>>
        %dma_start3A_272 = arith.constant 0 : i32
        %dma_start3A_273 = arith.constant 0 : i32
        %dma_start3A_274 = tpu.memref_slice %arg11[%dma_start3A_272, %dma_start3A_273] : memref<4546x64xf32, #tpu.memory_space<vmem_shared>> -> memref<4546x64xf32, #tpu.memory_space<vmem_shared>>
        tpu.enqueue_indirect_dma source(%dma_start3A_274 : memref<4546x64xf32, #tpu.memory_space<vmem_shared>>) target(%dma_start3A_269 : memref<160x64xf32, #tpu.memory_space<vmem>>) offsets(%dma_start3A_271 : memref<160xi32, #tpu.memory_space<vmem>>) semaphore(%arg18 : memref<!tpu.dma_semaphore, #tpu.memory_space<semaphore_mem>>)
        %dma_start3A_275 = arith.constant 480 : i32
        %dma_start3A_276 = arith.constant 0 : i32
        %dma_start3A_277 = tpu.memref_slice %arg8[%dma_start3A_275, %dma_start3A_276] : memref<640x64xf32, #tpu.memory_space<vmem>> -> memref<160x64xf32, #tpu.memory_space<vmem>>
        %dma_start3A_278 = arith.constant 480 : i32
        %dma_start3A_279 = tpu.memref_slice %arg6[%dma_start3A_278] : memref<640xi32, #tpu.memory_space<vmem>> -> memref<160xi32, #tpu.memory_space<vmem>>
        %dma_start3A_280 = arith.constant 0 : i32
        %dma_start3A_281 = arith.constant 0 : i32
        %dma_start3A_282 = tpu.memref_slice %arg11[%dma_start3A_280, %dma_start3A_281] : memref<4546x64xf32, #tpu.memory_space<vmem_shared>> -> memref<4546x64xf32, #tpu.memory_space<vmem_shared>>
        tpu.enqueue_indirect_dma source(%dma_start3A_282 : memref<4546x64xf32, #tpu.memory_space<vmem_shared>>) target(%dma_start3A_277 : memref<160x64xf32, #tpu.memory_space<vmem>>) offsets(%dma_start3A_279 : memref<160xi32, #tpu.memory_space<vmem>>) semaphore(%arg19 : memref<!tpu.dma_semaphore, #tpu.memory_space<semaphore_mem>>)
      } else {
      }
      %dma_wait3A_83 = arith.constant 0 : i32
      %dma_wait3A_84 = arith.constant 0 : i32
      %dma_wait3A_85 = tpu.memref_slice %arg7[%dma_wait3A_83, %dma_wait3A_84] : memref<640x64xf32, #tpu.memory_space<vmem>> -> memref<160x64xf32, #tpu.memory_space<vmem>>
      %dma_wait3A_86 = arith.constant 0 : i32
      %dma_wait3A_87 = arith.constant 0 : i32
      %dma_wait3A_88 = tpu.memref_slice %arg3[%dma_wait3A_86, %dma_wait3A_87] : memref<4546x64xf32, #tpu.memory_space<hbm>> -> memref<160x64xf32, #tpu.memory_space<hbm>>
      %dma_wait3A_89 = arith.constant 0 : i32
      %dma_wait3A_90 = arith.constant 0 : i32
      %dma_wait3A_91 = tpu.memref_slice %arg7[%dma_wait3A_89, %dma_wait3A_90] : memref<640x64xf32, #tpu.memory_space<vmem>> -> memref<160x64xf32, #tpu.memory_space<vmem>>
      %dma_wait3A_92 = arith.constant 0 : i32
      %dma_wait3A_93 = arith.constant 0 : i32
      %dma_wait3A_94 = tpu.memref_slice %arg3[%dma_wait3A_92, %dma_wait3A_93] : memref<4546x64xf32, #tpu.memory_space<hbm>> -> memref<160x64xf32, #tpu.memory_space<hbm>>
      tpu.wait_dma2 semaphore(%arg12 : memref<!tpu.dma_semaphore, #tpu.memory_space<semaphore_mem>>) src(%dma_wait3A_94 : memref<160x64xf32, #tpu.memory_space<hbm>>) dst(%dma_wait3A_91 : memref<160x64xf32, #tpu.memory_space<vmem>>)
      %dma_wait3A_95 = arith.constant 160 : i32
      %dma_wait3A_96 = arith.constant 0 : i32
      %dma_wait3A_97 = tpu.memref_slice %arg7[%dma_wait3A_95, %dma_wait3A_96] : memref<640x64xf32, #tpu.memory_space<vmem>> -> memref<160x64xf32, #tpu.memory_space<vmem>>
      %dma_wait3A_98 = arith.constant 0 : i32
      %dma_wait3A_99 = arith.constant 0 : i32
      %dma_wait3A_100 = tpu.memref_slice %arg3[%dma_wait3A_98, %dma_wait3A_99] : memref<4546x64xf32, #tpu.memory_space<hbm>> -> memref<160x64xf32, #tpu.memory_space<hbm>>
      %dma_wait3A_101 = arith.constant 160 : i32
      %dma_wait3A_102 = arith.constant 0 : i32
      %dma_wait3A_103 = tpu.memref_slice %arg7[%dma_wait3A_101, %dma_wait3A_102] : memref<640x64xf32, #tpu.memory_space<vmem>> -> memref<160x64xf32, #tpu.memory_space<vmem>>
      %dma_wait3A_104 = arith.constant 0 : i32
      %dma_wait3A_105 = arith.constant 0 : i32
      %dma_wait3A_106 = tpu.memref_slice %arg3[%dma_wait3A_104, %dma_wait3A_105] : memref<4546x64xf32, #tpu.memory_space<hbm>> -> memref<160x64xf32, #tpu.memory_space<hbm>>
      tpu.wait_dma2 semaphore(%arg13 : memref<!tpu.dma_semaphore, #tpu.memory_space<semaphore_mem>>) src(%dma_wait3A_106 : memref<160x64xf32, #tpu.memory_space<hbm>>) dst(%dma_wait3A_103 : memref<160x64xf32, #tpu.memory_space<vmem>>)
      %dma_wait3A_107 = arith.constant 320 : i32
      %dma_wait3A_108 = arith.constant 0 : i32
      %dma_wait3A_109 = tpu.memref_slice %arg7[%dma_wait3A_107, %dma_wait3A_108] : memref<640x64xf32, #tpu.memory_space<vmem>> -> memref<160x64xf32, #tpu.memory_space<vmem>>
      %dma_wait3A_110 = arith.constant 0 : i32
      %dma_wait3A_111 = arith.constant 0 : i32
      %dma_wait3A_112 = tpu.memref_slice %arg3[%dma_wait3A_110, %dma_wait3A_111] : memref<4546x64xf32, #tpu.memory_space<hbm>> -> memref<160x64xf32, #tpu.memory_space<hbm>>
      %dma_wait3A_113 = arith.constant 320 : i32
      %dma_wait3A_114 = arith.constant 0 : i32
      %dma_wait3A_115 = tpu.memref_slice %arg7[%dma_wait3A_113, %dma_wait3A_114] : memref<640x64xf32, #tpu.memory_space<vmem>> -> memref<160x64xf32, #tpu.memory_space<vmem>>
      %dma_wait3A_116 = arith.constant 0 : i32
      %dma_wait3A_117 = arith.constant 0 : i32
      %dma_wait3A_118 = tpu.memref_slice %arg3[%dma_wait3A_116, %dma_wait3A_117] : memref<4546x64xf32, #tpu.memory_space<hbm>> -> memref<160x64xf32, #tpu.memory_space<hbm>>
      tpu.wait_dma2 semaphore(%arg14 : memref<!tpu.dma_semaphore, #tpu.memory_space<semaphore_mem>>) src(%dma_wait3A_118 : memref<160x64xf32, #tpu.memory_space<hbm>>) dst(%dma_wait3A_115 : memref<160x64xf32, #tpu.memory_space<vmem>>)
      %dma_wait3A_119 = arith.constant 480 : i32
      %dma_wait3A_120 = arith.constant 0 : i32
      %dma_wait3A_121 = tpu.memref_slice %arg7[%dma_wait3A_119, %dma_wait3A_120] : memref<640x64xf32, #tpu.memory_space<vmem>> -> memref<160x64xf32, #tpu.memory_space<vmem>>
      %dma_wait3A_122 = arith.constant 0 : i32
      %dma_wait3A_123 = arith.constant 0 : i32
      %dma_wait3A_124 = tpu.memref_slice %arg3[%dma_wait3A_122, %dma_wait3A_123] : memref<4546x64xf32, #tpu.memory_space<hbm>> -> memref<160x64xf32, #tpu.memory_space<hbm>>
      %dma_wait3A_125 = arith.constant 480 : i32
      %dma_wait3A_126 = arith.constant 0 : i32
      %dma_wait3A_127 = tpu.memref_slice %arg7[%dma_wait3A_125, %dma_wait3A_126] : memref<640x64xf32, #tpu.memory_space<vmem>> -> memref<160x64xf32, #tpu.memory_space<vmem>>
      %dma_wait3A_128 = arith.constant 0 : i32
      %dma_wait3A_129 = arith.constant 0 : i32
      %dma_wait3A_130 = tpu.memref_slice %arg3[%dma_wait3A_128, %dma_wait3A_129] : memref<4546x64xf32, #tpu.memory_space<hbm>> -> memref<160x64xf32, #tpu.memory_space<hbm>>
      tpu.wait_dma2 semaphore(%arg15 : memref<!tpu.dma_semaphore, #tpu.memory_space<semaphore_mem>>) src(%dma_wait3A_130 : memref<160x64xf32, #tpu.memory_space<hbm>>) dst(%dma_wait3A_127 : memref<160x64xf32, #tpu.memory_space<vmem>>)
      %add3A_131 = arith.constant 2 : i32
      %add3A_132 = arith.addi %add3A_76, %add3A_131 : i32
      %lt3A_133 = arith.constant 64 : i32
      %lt3A_134 = arith.cmpi slt, %add3A_132, %lt3A_133 : i32
      %convert_element_type3A_135 = arith.extui %lt3A_134 : i1 to i32
      %cond3A_136 = arith.constant 0 : i32
      %cond3A_137 = arith.cmpi ne, %convert_element_type3A_135, %cond3A_136 : i32
      scf.if %cond3A_137 {
        %add3A_241 = arith.constant 2 : i32
        %add3A_242 = arith.addi %add3A_76, %add3A_241 : i32
        %dma_start3A_243 = arith.constant 0 : i32
        %dma_start3A_244 = tpu.memref_slice %arg2[%add3A, %add3A_242, %dma_start3A_243] : memref<32x64x640xi32, #tpu.memory_space<hbm>> -> memref<1x1x640xi32, #tpu.memory_space<hbm>>
        %dma_start3A_245 = tpu.memref_squeeze %dma_start3A_244 : memref<1x1x640xi32, #tpu.memory_space<hbm>> -> memref<640xi32, #tpu.memory_space<hbm>>
        %dma_start3A_246 = arith.constant 0 : i32
        %dma_start3A_247 = tpu.memref_slice %arg2[%add3A, %add3A_242, %dma_start3A_246] : memref<32x64x640xi32, #tpu.memory_space<hbm>> -> memref<1x1x640xi32, #tpu.memory_space<hbm>>
        %dma_start3A_248 = tpu.memref_squeeze %dma_start3A_247 : memref<1x1x640xi32, #tpu.memory_space<hbm>> -> memref<640xi32, #tpu.memory_space<hbm>>
        tpu.enqueue_dma source(%dma_start3A_248 : memref<640xi32, #tpu.memory_space<hbm>>) target(%arg5 : memref<640xi32, #tpu.memory_space<vmem>>) target_semaphore(%arg22 : memref<!tpu.dma_semaphore, #tpu.memory_space<semaphore_mem>>)
      } else {
      }
      %ge3A = arith.constant 2 : i32
      %ge3A_138 = arith.cmpi sge, %add3A_76, %ge3A : i32
      %convert_element_type3A_139 = arith.extui %ge3A_138 : i1 to i32
      %cond3A_140 = arith.constant 0 : i32
      %cond3A_141 = arith.cmpi ne, %convert_element_type3A_139, %cond3A_140 : i32
      scf.if %cond3A_141 {
        %dma_wait3A_241 = arith.constant 0 : i32
        %dma_wait3A_242 = arith.constant 0 : i32
        %dma_wait3A_243 = tpu.memref_slice %arg4[%dma_wait3A_241, %dma_wait3A_242] : memref<262144x64xf32, #tpu.memory_space<hbm>> -> memref<128x64xf32, #tpu.memory_space<hbm>>
        %dma_wait3A_244 = arith.constant 0 : i32
        %dma_wait3A_245 = arith.constant 0 : i32
        %dma_wait3A_246 = tpu.memref_slice %arg4[%dma_wait3A_244, %dma_wait3A_245] : memref<262144x64xf32, #tpu.memory_space<hbm>> -> memref<128x64xf32, #tpu.memory_space<hbm>>
        tpu.wait_dma2 semaphore(%arg20 : memref<!tpu.dma_semaphore, #tpu.memory_space<semaphore_mem>>) src(%arg9 : memref<128x64xf32, #tpu.memory_space<vmem>>) dst(%dma_wait3A_246 : memref<128x64xf32, #tpu.memory_space<hbm>>)
      } else {
      }
      %scan3A_142 = arith.constant 0 : i32
      %scan3A_143 = arith.constant 0 : i32
      %scan3A_144 = arith.constant 64 : i32
      %scan3A_145 = arith.addi %scan3A_143, %scan3A_144 : i32
      %scan3A_146 = arith.constant 1 : i32
      scf.for %scan3A_241 = %scan3A_143 to %scan3A_145 step %scan3A_146  : i32 {
        %mul3A_242 = arith.constant 2 : i32
        %mul3A_243 = arith.muli %scan3A_241, %mul3A_242 : i32
        %add3A_244 = arith.constant 0 : i32
        %add3A_245 = arith.addi %mul3A_243, %add3A_244 : i32
        %get3A = arith.index_cast %add3A_245 : i32 to index
        %get3A_246 = arith.constant 0 : index
        %get3A_247 = tpu.vector_load %arg7[%get3A, %get3A_246] {strides = array<i32>} : memref<640x64xf32, #tpu.memory_space<vmem>>, vector<1x16xf32>,
        %get3A_248 = vector.shape_cast %get3A_247 : vector<1x16xf32> to vector<16xf32>
        %add3A_249 = arith.constant 128 : i32
        %add3A_250 = arith.addi %add3A_249, %add3A_245 : i32
        %get3A_251 = arith.index_cast %add3A_250 : i32 to index
        %get3A_252 = arith.constant 0 : index
        %get3A_253 = tpu.vector_load %arg7[%get3A_251, %get3A_252] {strides = array<i32>} : memref<640x64xf32, #tpu.memory_space<vmem>>, vector<1x16xf32>,
        %get3A_254 = vector.shape_cast %get3A_253 : vector<1x16xf32> to vector<16xf32>
        %add3A_255 = arith.addf %get3A_248, %get3A_254 : vector<16xf32>
        %add3A_256 = arith.constant 256 : i32
        %add3A_257 = arith.addi %add3A_256, %add3A_245 : i32
        %get3A_258 = arith.index_cast %add3A_257 : i32 to index
        %get3A_259 = arith.constant 0 : index
        %get3A_260 = tpu.vector_load %arg7[%get3A_258, %get3A_259] {strides = array<i32>} : memref<640x64xf32, #tpu.memory_space<vmem>>, vector<1x16xf32>,
        %get3A_261 = vector.shape_cast %get3A_260 : vector<1x16xf32> to vector<16xf32>
        %add3A_262 = arith.constant 384 : i32
        %add3A_263 = arith.addi %add3A_262, %add3A_245 : i32
        %get3A_264 = arith.index_cast %add3A_263 : i32 to index
        %get3A_265 = arith.constant 0 : index
        %get3A_266 = tpu.vector_load %arg7[%get3A_264, %get3A_265] {strides = array<i32>} : memref<640x64xf32, #tpu.memory_space<vmem>>, vector<1x16xf32>,
        %get3A_267 = vector.shape_cast %get3A_266 : vector<1x16xf32> to vector<16xf32>
        %add3A_268 = arith.addf %get3A_261, %get3A_267 : vector<16xf32>
        %add3A_269 = arith.addf %add3A_255, %add3A_268 : vector<16xf32>
        %add3A_270 = arith.constant 512 : i32
        %add3A_271 = arith.addi %add3A_270, %add3A_245 : i32
        %get3A_272 = arith.index_cast %add3A_271 : i32 to index
        %get3A_273 = arith.constant 0 : index
        %get3A_274 = tpu.vector_load %arg7[%get3A_272, %get3A_273] {strides = array<i32>} : memref<640x64xf32, #tpu.memory_space<vmem>>, vector<1x16xf32>,
        %get3A_275 = vector.shape_cast %get3A_274 : vector<1x16xf32> to vector<16xf32>
        %add3A_276 = arith.addf %add3A_269, %get3A_275 : vector<16xf32>
        %swap3A = arith.index_cast %add3A_245 : i32 to index
        %swap3A_277 = arith.constant 0 : index
        %swap3A_278 = tpu.vector_load %arg9[%swap3A, %swap3A_277] {strides = array<i32>} : memref<128x64xf32, #tpu.memory_space<vmem>>, vector<1x16xf32>,
        %swap3A_279 = vector.shape_cast %swap3A_278 : vector<1x16xf32> to vector<16xf32>
        %swap3A_280 = vector.shape_cast %add3A_276 : vector<16xf32> to vector<1x16xf32>
        tpu.vector_store %arg9[%swap3A, %swap3A_277], %swap3A_280 {strides = array<i32>} : memref<128x64xf32, #tpu.memory_space<vmem>>, vector<1x16xf32>,
        %get3A_281 = arith.index_cast %add3A_245 : i32 to index
        %get3A_282 = arith.constant 16 : index
        %get3A_283 = tpu.vector_load %arg7[%get3A_281, %get3A_282] {strides = array<i32>} : memref<640x64xf32, #tpu.memory_space<vmem>>, vector<1x16xf32>,
        %get3A_284 = vector.shape_cast %get3A_283 : vector<1x16xf32> to vector<16xf32>
        %add3A_285 = arith.constant 128 : i32
        %add3A_286 = arith.addi %add3A_285, %add3A_245 : i32
        %get3A_287 = arith.index_cast %add3A_286 : i32 to index
        %get3A_288 = arith.constant 16 : index
        %get3A_289 = tpu.vector_load %arg7[%get3A_287, %get3A_288] {strides = array<i32>} : memref<640x64xf32, #tpu.memory_space<vmem>>, vector<1x16xf32>,
        %get3A_290 = vector.shape_cast %get3A_289 : vector<1x16xf32> to vector<16xf32>
        %add3A_291 = arith.addf %get3A_284, %get3A_290 : vector<16xf32>
        %add3A_292 = arith.constant 256 : i32
        %add3A_293 = arith.addi %add3A_292, %add3A_245 : i32
        %get3A_294 = arith.index_cast %add3A_293 : i32 to index
        %get3A_295 = arith.constant 16 : index
        %get3A_296 = tpu.vector_load %arg7[%get3A_294, %get3A_295] {strides = array<i32>} : memref<640x64xf32, #tpu.memory_space<vmem>>, vector<1x16xf32>,
        %get3A_297 = vector.shape_cast %get3A_296 : vector<1x16xf32> to vector<16xf32>
        %add3A_298 = arith.constant 384 : i32
        %add3A_299 = arith.addi %add3A_298, %add3A_245 : i32
        %get3A_300 = arith.index_cast %add3A_299 : i32 to index
        %get3A_301 = arith.constant 16 : index
        %get3A_302 = tpu.vector_load %arg7[%get3A_300, %get3A_301] {strides = array<i32>} : memref<640x64xf32, #tpu.memory_space<vmem>>, vector<1x16xf32>,
        %get3A_303 = vector.shape_cast %get3A_302 : vector<1x16xf32> to vector<16xf32>
        %add3A_304 = arith.addf %get3A_297, %get3A_303 : vector<16xf32>
        %add3A_305 = arith.addf %add3A_291, %add3A_304 : vector<16xf32>
        %add3A_306 = arith.constant 512 : i32
        %add3A_307 = arith.addi %add3A_306, %add3A_245 : i32
        %get3A_308 = arith.index_cast %add3A_307 : i32 to index
        %get3A_309 = arith.constant 16 : index
        %get3A_310 = tpu.vector_load %arg7[%get3A_308, %get3A_309] {strides = array<i32>} : memref<640x64xf32, #tpu.memory_space<vmem>>, vector<1x16xf32>,
        %get3A_311 = vector.shape_cast %get3A_310 : vector<1x16xf32> to vector<16xf32>
        %add3A_312 = arith.addf %add3A_305, %get3A_311 : vector<16xf32>
        %swap3A_313 = arith.index_cast %add3A_245 : i32 to index
        %swap3A_314 = arith.constant 16 : index
        %swap3A_315 = tpu.vector_load %arg9[%swap3A_313, %swap3A_314] {strides = array<i32>} : memref<128x64xf32, #tpu.memory_space<vmem>>, vector<1x16xf32>,
        %swap3A_316 = vector.shape_cast %swap3A_315 : vector<1x16xf32> to vector<16xf32>
        %swap3A_317 = vector.shape_cast %add3A_312 : vector<16xf32> to vector<1x16xf32>
        tpu.vector_store %arg9[%swap3A_313, %swap3A_314], %swap3A_317 {strides = array<i32>} : memref<128x64xf32, #tpu.memory_space<vmem>>, vector<1x16xf32>,
        %get3A_318 = arith.index_cast %add3A_245 : i32 to index
        %get3A_319 = arith.constant 32 : index
        %get3A_320 = tpu.vector_load %arg7[%get3A_318, %get3A_319] {strides = array<i32>} : memref<640x64xf32, #tpu.memory_space<vmem>>, vector<1x16xf32>,
        %get3A_321 = vector.shape_cast %get3A_320 : vector<1x16xf32> to vector<16xf32>
        %add3A_322 = arith.constant 128 : i32
        %add3A_323 = arith.addi %add3A_322, %add3A_245 : i32
        %get3A_324 = arith.index_cast %add3A_323 : i32 to index
        %get3A_325 = arith.constant 32 : index
        %get3A_326 = tpu.vector_load %arg7[%get3A_324, %get3A_325] {strides = array<i32>} : memref<640x64xf32, #tpu.memory_space<vmem>>, vector<1x16xf32>,
        %get3A_327 = vector.shape_cast %get3A_326 : vector<1x16xf32> to vector<16xf32>
        %add3A_328 = arith.addf %get3A_321, %get3A_327 : vector<16xf32>
        %add3A_329 = arith.constant 256 : i32
        %add3A_330 = arith.addi %add3A_329, %add3A_245 : i32
        %get3A_331 = arith.index_cast %add3A_330 : i32 to index
        %get3A_332 = arith.constant 32 : index
        %get3A_333 = tpu.vector_load %arg7[%get3A_331, %get3A_332] {strides = array<i32>} : memref<640x64xf32, #tpu.memory_space<vmem>>, vector<1x16xf32>,
        %get3A_334 = vector.shape_cast %get3A_333 : vector<1x16xf32> to vector<16xf32>
        %add3A_335 = arith.constant 384 : i32
        %add3A_336 = arith.addi %add3A_335, %add3A_245 : i32
        %get3A_337 = arith.index_cast %add3A_336 : i32 to index
        %get3A_338 = arith.constant 32 : index
        %get3A_339 = tpu.vector_load %arg7[%get3A_337, %get3A_338] {strides = array<i32>} : memref<640x64xf32, #tpu.memory_space<vmem>>, vector<1x16xf32>,
        %get3A_340 = vector.shape_cast %get3A_339 : vector<1x16xf32> to vector<16xf32>
        %add3A_341 = arith.addf %get3A_334, %get3A_340 : vector<16xf32>
        %add3A_342 = arith.addf %add3A_328, %add3A_341 : vector<16xf32>
        %add3A_343 = arith.constant 512 : i32
        %add3A_344 = arith.addi %add3A_343, %add3A_245 : i32
        %get3A_345 = arith.index_cast %add3A_344 : i32 to index
        %get3A_346 = arith.constant 32 : index
        %get3A_347 = tpu.vector_load %arg7[%get3A_345, %get3A_346] {strides = array<i32>} : memref<640x64xf32, #tpu.memory_space<vmem>>, vector<1x16xf32>,
        %get3A_348 = vector.shape_cast %get3A_347 : vector<1x16xf32> to vector<16xf32>
        %add3A_349 = arith.addf %add3A_342, %get3A_348 : vector<16xf32>
        %swap3A_350 = arith.index_cast %add3A_245 : i32 to index
        %swap3A_351 = arith.constant 32 : index
        %swap3A_352 = tpu.vector_load %arg9[%swap3A_350, %swap3A_351] {strides = array<i32>} : memref<128x64xf32, #tpu.memory_space<vmem>>, vector<1x16xf32>,
        %swap3A_353 = vector.shape_cast %swap3A_352 : vector<1x16xf32> to vector<16xf32>
        %swap3A_354 = vector.shape_cast %add3A_349 : vector<16xf32> to vector<1x16xf32>
        tpu.vector_store %arg9[%swap3A_350, %swap3A_351], %swap3A_354 {strides = array<i32>} : memref<128x64xf32, #tpu.memory_space<vmem>>, vector<1x16xf32>,
        %get3A_355 = arith.index_cast %add3A_245 : i32 to index
        %get3A_356 = arith.constant 48 : index
        %get3A_357 = tpu.vector_load %arg7[%get3A_355, %get3A_356] {strides = array<i32>} : memref<640x64xf32, #tpu.memory_space<vmem>>, vector<1x16xf32>,
        %get3A_358 = vector.shape_cast %get3A_357 : vector<1x16xf32> to vector<16xf32>
        %add3A_359 = arith.constant 128 : i32
        %add3A_360 = arith.addi %add3A_359, %add3A_245 : i32
        %get3A_361 = arith.index_cast %add3A_360 : i32 to index
        %get3A_362 = arith.constant 48 : index
        %get3A_363 = tpu.vector_load %arg7[%get3A_361, %get3A_362] {strides = array<i32>} : memref<640x64xf32, #tpu.memory_space<vmem>>, vector<1x16xf32>,
        %get3A_364 = vector.shape_cast %get3A_363 : vector<1x16xf32> to vector<16xf32>
        %add3A_365 = arith.addf %get3A_358, %get3A_364 : vector<16xf32>
        %add3A_366 = arith.constant 256 : i32
        %add3A_367 = arith.addi %add3A_366, %add3A_245 : i32
        %get3A_368 = arith.index_cast %add3A_367 : i32 to index
        %get3A_369 = arith.constant 48 : index
        %get3A_370 = tpu.vector_load %arg7[%get3A_368, %get3A_369] {strides = array<i32>} : memref<640x64xf32, #tpu.memory_space<vmem>>, vector<1x16xf32>,
        %get3A_371 = vector.shape_cast %get3A_370 : vector<1x16xf32> to vector<16xf32>
        %add3A_372 = arith.constant 384 : i32
        %add3A_373 = arith.addi %add3A_372, %add3A_245 : i32
        %get3A_374 = arith.index_cast %add3A_373 : i32 to index
        %get3A_375 = arith.constant 48 : index
        %get3A_376 = tpu.vector_load %arg7[%get3A_374, %get3A_375] {strides = array<i32>} : memref<640x64xf32, #tpu.memory_space<vmem>>, vector<1x16xf32>,
        %get3A_377 = vector.shape_cast %get3A_376 : vector<1x16xf32> to vector<16xf32>
        %add3A_378 = arith.addf %get3A_371, %get3A_377 : vector<16xf32>
        %add3A_379 = arith.addf %add3A_365, %add3A_378 : vector<16xf32>
        %add3A_380 = arith.constant 512 : i32
        %add3A_381 = arith.addi %add3A_380, %add3A_245 : i32
        %get3A_382 = arith.index_cast %add3A_381 : i32 to index
        %get3A_383 = arith.constant 48 : index
        %get3A_384 = tpu.vector_load %arg7[%get3A_382, %get3A_383] {strides = array<i32>} : memref<640x64xf32, #tpu.memory_space<vmem>>, vector<1x16xf32>,
        %get3A_385 = vector.shape_cast %get3A_384 : vector<1x16xf32> to vector<16xf32>
        %add3A_386 = arith.addf %add3A_379, %get3A_385 : vector<16xf32>
        %swap3A_387 = arith.index_cast %add3A_245 : i32 to index
        %swap3A_388 = arith.constant 48 : index
        %swap3A_389 = tpu.vector_load %arg9[%swap3A_387, %swap3A_388] {strides = array<i32>} : memref<128x64xf32, #tpu.memory_space<vmem>>, vector<1x16xf32>,
        %swap3A_390 = vector.shape_cast %swap3A_389 : vector<1x16xf32> to vector<16xf32>
        %swap3A_391 = vector.shape_cast %add3A_386 : vector<16xf32> to vector<1x16xf32>
        tpu.vector_store %arg9[%swap3A_387, %swap3A_388], %swap3A_391 {strides = array<i32>} : memref<128x64xf32, #tpu.memory_space<vmem>>, vector<1x16xf32>,
        %add3A_392 = arith.constant 1 : i32
        %add3A_393 = arith.addi %mul3A_243, %add3A_392 : i32
        %get3A_394 = arith.index_cast %add3A_393 : i32 to index
        %get3A_395 = arith.constant 0 : index
        %get3A_396 = tpu.vector_load %arg7[%get3A_394, %get3A_395] {strides = array<i32>} : memref<640x64xf32, #tpu.memory_space<vmem>>, vector<1x16xf32>,
        %get3A_397 = vector.shape_cast %get3A_396 : vector<1x16xf32> to vector<16xf32>
        %add3A_398 = arith.constant 128 : i32
        %add3A_399 = arith.addi %add3A_398, %add3A_393 : i32
        %get3A_400 = arith.index_cast %add3A_399 : i32 to index
        %get3A_401 = arith.constant 0 : index
        %get3A_402 = tpu.vector_load %arg7[%get3A_400, %get3A_401] {strides = array<i32>} : memref<640x64xf32, #tpu.memory_space<vmem>>, vector<1x16xf32>,
        %get3A_403 = vector.shape_cast %get3A_402 : vector<1x16xf32> to vector<16xf32>
        %add3A_404 = arith.addf %get3A_397, %get3A_403 : vector<16xf32>
        %add3A_405 = arith.constant 256 : i32
        %add3A_406 = arith.addi %add3A_405, %add3A_393 : i32
        %get3A_407 = arith.index_cast %add3A_406 : i32 to index
        %get3A_408 = arith.constant 0 : index
        %get3A_409 = tpu.vector_load %arg7[%get3A_407, %get3A_408] {strides = array<i32>} : memref<640x64xf32, #tpu.memory_space<vmem>>, vector<1x16xf32>,
        %get3A_410 = vector.shape_cast %get3A_409 : vector<1x16xf32> to vector<16xf32>
        %add3A_411 = arith.constant 384 : i32
        %add3A_412 = arith.addi %add3A_411, %add3A_393 : i32
        %get3A_413 = arith.index_cast %add3A_412 : i32 to index
        %get3A_414 = arith.constant 0 : index
        %get3A_415 = tpu.vector_load %arg7[%get3A_413, %get3A_414] {strides = array<i32>} : memref<640x64xf32, #tpu.memory_space<vmem>>, vector<1x16xf32>,
        %get3A_416 = vector.shape_cast %get3A_415 : vector<1x16xf32> to vector<16xf32>
        %add3A_417 = arith.addf %get3A_410, %get3A_416 : vector<16xf32>
        %add3A_418 = arith.addf %add3A_404, %add3A_417 : vector<16xf32>
        %add3A_419 = arith.constant 512 : i32
        %add3A_420 = arith.addi %add3A_419, %add3A_393 : i32
        %get3A_421 = arith.index_cast %add3A_420 : i32 to index
        %get3A_422 = arith.constant 0 : index
        %get3A_423 = tpu.vector_load %arg7[%get3A_421, %get3A_422] {strides = array<i32>} : memref<640x64xf32, #tpu.memory_space<vmem>>, vector<1x16xf32>,
        %get3A_424 = vector.shape_cast %get3A_423 : vector<1x16xf32> to vector<16xf32>
        %add3A_425 = arith.addf %add3A_418, %get3A_424 : vector<16xf32>
        %swap3A_426 = arith.index_cast %add3A_393 : i32 to index
        %swap3A_427 = arith.constant 0 : index
        %swap3A_428 = tpu.vector_load %arg9[%swap3A_426, %swap3A_427] {strides = array<i32>} : memref<128x64xf32, #tpu.memory_space<vmem>>, vector<1x16xf32>,
        %swap3A_429 = vector.shape_cast %swap3A_428 : vector<1x16xf32> to vector<16xf32>
        %swap3A_430 = vector.shape_cast %add3A_425 : vector<16xf32> to vector<1x16xf32>
        tpu.vector_store %arg9[%swap3A_426, %swap3A_427], %swap3A_430 {strides = array<i32>} : memref<128x64xf32, #tpu.memory_space<vmem>>, vector<1x16xf32>,
        %get3A_431 = arith.index_cast %add3A_393 : i32 to index
        %get3A_432 = arith.constant 16 : index
        %get3A_433 = tpu.vector_load %arg7[%get3A_431, %get3A_432] {strides = array<i32>} : memref<640x64xf32, #tpu.memory_space<vmem>>, vector<1x16xf32>,
        %get3A_434 = vector.shape_cast %get3A_433 : vector<1x16xf32> to vector<16xf32>
        %add3A_435 = arith.constant 128 : i32
        %add3A_436 = arith.addi %add3A_435, %add3A_393 : i32
        %get3A_437 = arith.index_cast %add3A_436 : i32 to index
        %get3A_438 = arith.constant 16 : index
        %get3A_439 = tpu.vector_load %arg7[%get3A_437, %get3A_438] {strides = array<i32>} : memref<640x64xf32, #tpu.memory_space<vmem>>, vector<1x16xf32>,
        %get3A_440 = vector.shape_cast %get3A_439 : vector<1x16xf32> to vector<16xf32>
        %add3A_441 = arith.addf %get3A_434, %get3A_440 : vector<16xf32>
        %add3A_442 = arith.constant 256 : i32
        %add3A_443 = arith.addi %add3A_442, %add3A_393 : i32
        %get3A_444 = arith.index_cast %add3A_443 : i32 to index
        %get3A_445 = arith.constant 16 : index
        %get3A_446 = tpu.vector_load %arg7[%get3A_444, %get3A_445] {strides = array<i32>} : memref<640x64xf32, #tpu.memory_space<vmem>>, vector<1x16xf32>,
        %get3A_447 = vector.shape_cast %get3A_446 : vector<1x16xf32> to vector<16xf32>
        %add3A_448 = arith.constant 384 : i32
        %add3A_449 = arith.addi %add3A_448, %add3A_393 : i32
        %get3A_450 = arith.index_cast %add3A_449 : i32 to index
        %get3A_451 = arith.constant 16 : index
        %get3A_452 = tpu.vector_load %arg7[%get3A_450, %get3A_451] {strides = array<i32>} : memref<640x64xf32, #tpu.memory_space<vmem>>, vector<1x16xf32>,
        %get3A_453 = vector.shape_cast %get3A_452 : vector<1x16xf32> to vector<16xf32>
        %add3A_454 = arith.addf %get3A_447, %get3A_453 : vector<16xf32>
        %add3A_455 = arith.addf %add3A_441, %add3A_454 : vector<16xf32>
        %add3A_456 = arith.constant 512 : i32
        %add3A_457 = arith.addi %add3A_456, %add3A_393 : i32
        %get3A_458 = arith.index_cast %add3A_457 : i32 to index
        %get3A_459 = arith.constant 16 : index
        %get3A_460 = tpu.vector_load %arg7[%get3A_458, %get3A_459] {strides = array<i32>} : memref<640x64xf32, #tpu.memory_space<vmem>>, vector<1x16xf32>,
        %get3A_461 = vector.shape_cast %get3A_460 : vector<1x16xf32> to vector<16xf32>
        %add3A_462 = arith.addf %add3A_455, %get3A_461 : vector<16xf32>
        %swap3A_463 = arith.index_cast %add3A_393 : i32 to index
        %swap3A_464 = arith.constant 16 : index
        %swap3A_465 = tpu.vector_load %arg9[%swap3A_463, %swap3A_464] {strides = array<i32>} : memref<128x64xf32, #tpu.memory_space<vmem>>, vector<1x16xf32>,
        %swap3A_466 = vector.shape_cast %swap3A_465 : vector<1x16xf32> to vector<16xf32>
        %swap3A_467 = vector.shape_cast %add3A_462 : vector<16xf32> to vector<1x16xf32>
        tpu.vector_store %arg9[%swap3A_463, %swap3A_464], %swap3A_467 {strides = array<i32>} : memref<128x64xf32, #tpu.memory_space<vmem>>, vector<1x16xf32>,
        %get3A_468 = arith.index_cast %add3A_393 : i32 to index
        %get3A_469 = arith.constant 32 : index
        %get3A_470 = tpu.vector_load %arg7[%get3A_468, %get3A_469] {strides = array<i32>} : memref<640x64xf32, #tpu.memory_space<vmem>>, vector<1x16xf32>,
        %get3A_471 = vector.shape_cast %get3A_470 : vector<1x16xf32> to vector<16xf32>
        %add3A_472 = arith.constant 128 : i32
        %add3A_473 = arith.addi %add3A_472, %add3A_393 : i32
        %get3A_474 = arith.index_cast %add3A_473 : i32 to index
        %get3A_475 = arith.constant 32 : index
        %get3A_476 = tpu.vector_load %arg7[%get3A_474, %get3A_475] {strides = array<i32>} : memref<640x64xf32, #tpu.memory_space<vmem>>, vector<1x16xf32>,
        %get3A_477 = vector.shape_cast %get3A_476 : vector<1x16xf32> to vector<16xf32>
        %add3A_478 = arith.addf %get3A_471, %get3A_477 : vector<16xf32>
        %add3A_479 = arith.constant 256 : i32
        %add3A_480 = arith.addi %add3A_479, %add3A_393 : i32
        %get3A_481 = arith.index_cast %add3A_480 : i32 to index
        %get3A_482 = arith.constant 32 : index
        %get3A_483 = tpu.vector_load %arg7[%get3A_481, %get3A_482] {strides = array<i32>} : memref<640x64xf32, #tpu.memory_space<vmem>>, vector<1x16xf32>,
        %get3A_484 = vector.shape_cast %get3A_483 : vector<1x16xf32> to vector<16xf32>
        %add3A_485 = arith.constant 384 : i32
        %add3A_486 = arith.addi %add3A_485, %add3A_393 : i32
        %get3A_487 = arith.index_cast %add3A_486 : i32 to index
        %get3A_488 = arith.constant 32 : index
        %get3A_489 = tpu.vector_load %arg7[%get3A_487, %get3A_488] {strides = array<i32>} : memref<640x64xf32, #tpu.memory_space<vmem>>, vector<1x16xf32>,
        %get3A_490 = vector.shape_cast %get3A_489 : vector<1x16xf32> to vector<16xf32>
        %add3A_491 = arith.addf %get3A_484, %get3A_490 : vector<16xf32>
        %add3A_492 = arith.addf %add3A_478, %add3A_491 : vector<16xf32>
        %add3A_493 = arith.constant 512 : i32
        %add3A_494 = arith.addi %add3A_493, %add3A_393 : i32
        %get3A_495 = arith.index_cast %add3A_494 : i32 to index
        %get3A_496 = arith.constant 32 : index
        %get3A_497 = tpu.vector_load %arg7[%get3A_495, %get3A_496] {strides = array<i32>} : memref<640x64xf32, #tpu.memory_space<vmem>>, vector<1x16xf32>,
        %get3A_498 = vector.shape_cast %get3A_497 : vector<1x16xf32> to vector<16xf32>
        %add3A_499 = arith.addf %add3A_492, %get3A_498 : vector<16xf32>
        %swap3A_500 = arith.index_cast %add3A_393 : i32 to index
        %swap3A_501 = arith.constant 32 : index
        %swap3A_502 = tpu.vector_load %arg9[%swap3A_500, %swap3A_501] {strides = array<i32>} : memref<128x64xf32, #tpu.memory_space<vmem>>, vector<1x16xf32>,
        %swap3A_503 = vector.shape_cast %swap3A_502 : vector<1x16xf32> to vector<16xf32>
        %swap3A_504 = vector.shape_cast %add3A_499 : vector<16xf32> to vector<1x16xf32>
        tpu.vector_store %arg9[%swap3A_500, %swap3A_501], %swap3A_504 {strides = array<i32>} : memref<128x64xf32, #tpu.memory_space<vmem>>, vector<1x16xf32>,
        %get3A_505 = arith.index_cast %add3A_393 : i32 to index
        %get3A_506 = arith.constant 48 : index
        %get3A_507 = tpu.vector_load %arg7[%get3A_505, %get3A_506] {strides = array<i32>} : memref<640x64xf32, #tpu.memory_space<vmem>>, vector<1x16xf32>,
        %get3A_508 = vector.shape_cast %get3A_507 : vector<1x16xf32> to vector<16xf32>
        %add3A_509 = arith.constant 128 : i32
        %add3A_510 = arith.addi %add3A_509, %add3A_393 : i32
        %get3A_511 = arith.index_cast %add3A_510 : i32 to index
        %get3A_512 = arith.constant 48 : index
        %get3A_513 = tpu.vector_load %arg7[%get3A_511, %get3A_512] {strides = array<i32>} : memref<640x64xf32, #tpu.memory_space<vmem>>, vector<1x16xf32>,
        %get3A_514 = vector.shape_cast %get3A_513 : vector<1x16xf32> to vector<16xf32>
        %add3A_515 = arith.addf %get3A_508, %get3A_514 : vector<16xf32>
        %add3A_516 = arith.constant 256 : i32
        %add3A_517 = arith.addi %add3A_516, %add3A_393 : i32
        %get3A_518 = arith.index_cast %add3A_517 : i32 to index
        %get3A_519 = arith.constant 48 : index
        %get3A_520 = tpu.vector_load %arg7[%get3A_518, %get3A_519] {strides = array<i32>} : memref<640x64xf32, #tpu.memory_space<vmem>>, vector<1x16xf32>,
        %get3A_521 = vector.shape_cast %get3A_520 : vector<1x16xf32> to vector<16xf32>
        %add3A_522 = arith.constant 384 : i32
        %add3A_523 = arith.addi %add3A_522, %add3A_393 : i32
        %get3A_524 = arith.index_cast %add3A_523 : i32 to index
        %get3A_525 = arith.constant 48 : index
        %get3A_526 = tpu.vector_load %arg7[%get3A_524, %get3A_525] {strides = array<i32>} : memref<640x64xf32, #tpu.memory_space<vmem>>, vector<1x16xf32>,
        %get3A_527 = vector.shape_cast %get3A_526 : vector<1x16xf32> to vector<16xf32>
        %add3A_528 = arith.addf %get3A_521, %get3A_527 : vector<16xf32>
        %add3A_529 = arith.addf %add3A_515, %add3A_528 : vector<16xf32>
        %add3A_530 = arith.constant 512 : i32
        %add3A_531 = arith.addi %add3A_530, %add3A_393 : i32
        %get3A_532 = arith.index_cast %add3A_531 : i32 to index
        %get3A_533 = arith.constant 48 : index
        %get3A_534 = tpu.vector_load %arg7[%get3A_532, %get3A_533] {strides = array<i32>} : memref<640x64xf32, #tpu.memory_space<vmem>>, vector<1x16xf32>,
        %get3A_535 = vector.shape_cast %get3A_534 : vector<1x16xf32> to vector<16xf32>
        %add3A_536 = arith.addf %add3A_529, %get3A_535 : vector<16xf32>
        %swap3A_537 = arith.index_cast %add3A_393 : i32 to index
        %swap3A_538 = arith.constant 48 : index
        %swap3A_539 = tpu.vector_load %arg9[%swap3A_537, %swap3A_538] {strides = array<i32>} : memref<128x64xf32, #tpu.memory_space<vmem>>, vector<1x16xf32>,
        %swap3A_540 = vector.shape_cast %swap3A_539 : vector<1x16xf32> to vector<16xf32>
        %swap3A_541 = vector.shape_cast %add3A_536 : vector<16xf32> to vector<1x16xf32>
        tpu.vector_store %arg9[%swap3A_537, %swap3A_538], %swap3A_541 {strides = array<i32>} : memref<128x64xf32, #tpu.memory_space<vmem>>, vector<1x16xf32>,
      }
      %scan3A_147 = arith.constant 64 : i32
      %mul3A_148 = arith.constant 8192 : i32
      %mul3A_149 = arith.muli %add3A, %mul3A_148 : i32
      %mul3A_150 = arith.constant 128 : i32
      %mul3A_151 = arith.muli %add3A_76, %mul3A_150 : i32
      %add3A_152 = arith.addi %mul3A_149, %mul3A_151 : i32
      %dma_start3A_153 = arith.constant 0 : i32
      %dma_start3A_154 = tpu.memref_slice %arg4[%add3A_152, %dma_start3A_153] : memref<262144x64xf32, #tpu.memory_space<hbm>> -> memref<128x64xf32, #tpu.memory_space<hbm>>
      %dma_start3A_155 = arith.constant 0 : i32
      %dma_start3A_156 = tpu.memref_slice %arg4[%add3A_152, %dma_start3A_155] : memref<262144x64xf32, #tpu.memory_space<hbm>> -> memref<128x64xf32, #tpu.memory_space<hbm>>
      tpu.enqueue_dma source(%arg9 : memref<128x64xf32, #tpu.memory_space<vmem>>) target(%dma_start3A_156 : memref<128x64xf32, #tpu.memory_space<hbm>>) target_semaphore(%arg20 : memref<!tpu.dma_semaphore, #tpu.memory_space<semaphore_mem>>)
      %add3A_157 = arith.constant 1 : i32
      %add3A_158 = arith.addi %mul3A_74, %add3A_157 : i32
      %add3A_159 = arith.constant 1 : i32
      %add3A_160 = arith.addi %add3A_158, %add3A_159 : i32
      %lt3A_161 = arith.constant 64 : i32
      %lt3A_162 = arith.cmpi slt, %add3A_160, %lt3A_161 : i32
      %convert_element_type3A_163 = arith.extui %lt3A_162 : i1 to i32
      %cond3A_164 = arith.constant 0 : i32
      %cond3A_165 = arith.cmpi ne, %convert_element_type3A_163, %cond3A_164 : i32
      scf.if %cond3A_165 {
        %dma_wait3A_241 = arith.constant 0 : i32
        %dma_wait3A_242 = arith.constant 0 : i32
        %dma_wait3A_243 = arith.constant 0 : i32
        %dma_wait3A_244 = tpu.memref_slice %arg2[%dma_wait3A_241, %dma_wait3A_242, %dma_wait3A_243] : memref<32x64x640xi32, #tpu.memory_space<hbm>> -> memref<1x1x640xi32, #tpu.memory_space<hbm>>
        %dma_wait3A_245 = tpu.memref_squeeze %dma_wait3A_244 : memref<1x1x640xi32, #tpu.memory_space<hbm>> -> memref<640xi32, #tpu.memory_space<hbm>>
        %dma_wait3A_246 = arith.constant 0 : i32
        %dma_wait3A_247 = tpu.memref_slice %arg2[%dma_wait3A_241, %dma_wait3A_242, %dma_wait3A_246] : memref<32x64x640xi32, #tpu.memory_space<hbm>> -> memref<1x1x640xi32, #tpu.memory_space<hbm>>
        %dma_wait3A_248 = tpu.memref_squeeze %dma_wait3A_247 : memref<1x1x640xi32, #tpu.memory_space<hbm>> -> memref<640xi32, #tpu.memory_space<hbm>>
        tpu.wait_dma2 semaphore(%arg22 : memref<!tpu.dma_semaphore, #tpu.memory_space<semaphore_mem>>) src(%dma_wait3A_248 : memref<640xi32, #tpu.memory_space<hbm>>) dst(%arg5 : memref<640xi32, #tpu.memory_space<vmem>>)
        %add3A_249 = arith.constant 1 : i32
        %add3A_250 = arith.addi %add3A_158, %add3A_249 : i32
        %dma_start3A_251 = arith.constant 0 : i32
        %dma_start3A_252 = arith.constant 0 : i32
        %dma_start3A_253 = tpu.memref_slice %arg7[%dma_start3A_251, %dma_start3A_252] : memref<640x64xf32, #tpu.memory_space<vmem>> -> memref<160x64xf32, #tpu.memory_space<vmem>>
        %dma_start3A_254 = arith.constant 0 : i32
        %dma_start3A_255 = tpu.memref_slice %arg5[%dma_start3A_254] : memref<640xi32, #tpu.memory_space<vmem>> -> memref<160xi32, #tpu.memory_space<vmem>>
        %dma_start3A_256 = arith.constant 0 : i32
        %dma_start3A_257 = arith.constant 0 : i32
        %dma_start3A_258 = tpu.memref_slice %arg11[%dma_start3A_256, %dma_start3A_257] : memref<4546x64xf32, #tpu.memory_space<vmem_shared>> -> memref<4546x64xf32, #tpu.memory_space<vmem_shared>>
        tpu.enqueue_indirect_dma source(%dma_start3A_258 : memref<4546x64xf32, #tpu.memory_space<vmem_shared>>) target(%dma_start3A_253 : memref<160x64xf32, #tpu.memory_space<vmem>>) offsets(%dma_start3A_255 : memref<160xi32, #tpu.memory_space<vmem>>) semaphore(%arg12 : memref<!tpu.dma_semaphore, #tpu.memory_space<semaphore_mem>>)
        %dma_start3A_259 = arith.constant 160 : i32
        %dma_start3A_260 = arith.constant 0 : i32
        %dma_start3A_261 = tpu.memref_slice %arg7[%dma_start3A_259, %dma_start3A_260] : memref<640x64xf32, #tpu.memory_space<vmem>> -> memref<160x64xf32, #tpu.memory_space<vmem>>
        %dma_start3A_262 = arith.constant 160 : i32
        %dma_start3A_263 = tpu.memref_slice %arg5[%dma_start3A_262] : memref<640xi32, #tpu.memory_space<vmem>> -> memref<160xi32, #tpu.memory_space<vmem>>
        %dma_start3A_264 = arith.constant 0 : i32
        %dma_start3A_265 = arith.constant 0 : i32
        %dma_start3A_266 = tpu.memref_slice %arg11[%dma_start3A_264, %dma_start3A_265] : memref<4546x64xf32, #tpu.memory_space<vmem_shared>> -> memref<4546x64xf32, #tpu.memory_space<vmem_shared>>
        tpu.enqueue_indirect_dma source(%dma_start3A_266 : memref<4546x64xf32, #tpu.memory_space<vmem_shared>>) target(%dma_start3A_261 : memref<160x64xf32, #tpu.memory_space<vmem>>) offsets(%dma_start3A_263 : memref<160xi32, #tpu.memory_space<vmem>>) semaphore(%arg13 : memref<!tpu.dma_semaphore, #tpu.memory_space<semaphore_mem>>)
        %dma_start3A_267 = arith.constant 320 : i32
        %dma_start3A_268 = arith.constant 0 : i32
        %dma_start3A_269 = tpu.memref_slice %arg7[%dma_start3A_267, %dma_start3A_268] : memref<640x64xf32, #tpu.memory_space<vmem>> -> memref<160x64xf32, #tpu.memory_space<vmem>>
        %dma_start3A_270 = arith.constant 320 : i32
        %dma_start3A_271 = tpu.memref_slice %arg5[%dma_start3A_270] : memref<640xi32, #tpu.memory_space<vmem>> -> memref<160xi32, #tpu.memory_space<vmem>>
        %dma_start3A_272 = arith.constant 0 : i32
        %dma_start3A_273 = arith.constant 0 : i32
        %dma_start3A_274 = tpu.memref_slice %arg11[%dma_start3A_272, %dma_start3A_273] : memref<4546x64xf32, #tpu.memory_space<vmem_shared>> -> memref<4546x64xf32, #tpu.memory_space<vmem_shared>>
        tpu.enqueue_indirect_dma source(%dma_start3A_274 : memref<4546x64xf32, #tpu.memory_space<vmem_shared>>) target(%dma_start3A_269 : memref<160x64xf32, #tpu.memory_space<vmem>>) offsets(%dma_start3A_271 : memref<160xi32, #tpu.memory_space<vmem>>) semaphore(%arg14 : memref<!tpu.dma_semaphore, #tpu.memory_space<semaphore_mem>>)
        %dma_start3A_275 = arith.constant 480 : i32
        %dma_start3A_276 = arith.constant 0 : i32
        %dma_start3A_277 = tpu.memref_slice %arg7[%dma_start3A_275, %dma_start3A_276] : memref<640x64xf32, #tpu.memory_space<vmem>> -> memref<160x64xf32, #tpu.memory_space<vmem>>
        %dma_start3A_278 = arith.constant 480 : i32
        %dma_start3A_279 = tpu.memref_slice %arg5[%dma_start3A_278] : memref<640xi32, #tpu.memory_space<vmem>> -> memref<160xi32, #tpu.memory_space<vmem>>
        %dma_start3A_280 = arith.constant 0 : i32
        %dma_start3A_281 = arith.constant 0 : i32
        %dma_start3A_282 = tpu.memref_slice %arg11[%dma_start3A_280, %dma_start3A_281] : memref<4546x64xf32, #tpu.memory_space<vmem_shared>> -> memref<4546x64xf32, #tpu.memory_space<vmem_shared>>
        tpu.enqueue_indirect_dma source(%dma_start3A_282 : memref<4546x64xf32, #tpu.memory_space<vmem_shared>>) target(%dma_start3A_277 : memref<160x64xf32, #tpu.memory_space<vmem>>) offsets(%dma_start3A_279 : memref<160xi32, #tpu.memory_space<vmem>>) semaphore(%arg15 : memref<!tpu.dma_semaphore, #tpu.memory_space<semaphore_mem>>)
      } else {
      }
      %dma_wait3A_166 = arith.constant 0 : i32
      %dma_wait3A_167 = arith.constant 0 : i32
      %dma_wait3A_168 = tpu.memref_slice %arg8[%dma_wait3A_166, %dma_wait3A_167] : memref<640x64xf32, #tpu.memory_space<vmem>> -> memref<160x64xf32, #tpu.memory_space<vmem>>
      %dma_wait3A_169 = arith.constant 0 : i32
      %dma_wait3A_170 = arith.constant 0 : i32
      %dma_wait3A_171 = tpu.memref_slice %arg3[%dma_wait3A_169, %dma_wait3A_170] : memref<4546x64xf32, #tpu.memory_space<hbm>> -> memref<160x64xf32, #tpu.memory_space<hbm>>
      %dma_wait3A_172 = arith.constant 0 : i32
      %dma_wait3A_173 = arith.constant 0 : i32
      %dma_wait3A_174 = tpu.memref_slice %arg8[%dma_wait3A_172, %dma_wait3A_173] : memref<640x64xf32, #tpu.memory_space<vmem>> -> memref<160x64xf32, #tpu.memory_space<vmem>>
      %dma_wait3A_175 = arith.constant 0 : i32
      %dma_wait3A_176 = arith.constant 0 : i32
      %dma_wait3A_177 = tpu.memref_slice %arg3[%dma_wait3A_175, %dma_wait3A_176] : memref<4546x64xf32, #tpu.memory_space<hbm>> -> memref<160x64xf32, #tpu.memory_space<hbm>>
      tpu.wait_dma2 semaphore(%arg16 : memref<!tpu.dma_semaphore, #tpu.memory_space<semaphore_mem>>) src(%dma_wait3A_177 : memref<160x64xf32, #tpu.memory_space<hbm>>) dst(%dma_wait3A_174 : memref<160x64xf32, #tpu.memory_space<vmem>>)
      %dma_wait3A_178 = arith.constant 160 : i32
      %dma_wait3A_179 = arith.constant 0 : i32
      %dma_wait3A_180 = tpu.memref_slice %arg8[%dma_wait3A_178, %dma_wait3A_179] : memref<640x64xf32, #tpu.memory_space<vmem>> -> memref<160x64xf32, #tpu.memory_space<vmem>>
      %dma_wait3A_181 = arith.constant 0 : i32
      %dma_wait3A_182 = arith.constant 0 : i32
      %dma_wait3A_183 = tpu.memref_slice %arg3[%dma_wait3A_181, %dma_wait3A_182] : memref<4546x64xf32, #tpu.memory_space<hbm>> -> memref<160x64xf32, #tpu.memory_space<hbm>>
      %dma_wait3A_184 = arith.constant 160 : i32
      %dma_wait3A_185 = arith.constant 0 : i32
      %dma_wait3A_186 = tpu.memref_slice %arg8[%dma_wait3A_184, %dma_wait3A_185] : memref<640x64xf32, #tpu.memory_space<vmem>> -> memref<160x64xf32, #tpu.memory_space<vmem>>
      %dma_wait3A_187 = arith.constant 0 : i32
      %dma_wait3A_188 = arith.constant 0 : i32
      %dma_wait3A_189 = tpu.memref_slice %arg3[%dma_wait3A_187, %dma_wait3A_188] : memref<4546x64xf32, #tpu.memory_space<hbm>> -> memref<160x64xf32, #tpu.memory_space<hbm>>
      tpu.wait_dma2 semaphore(%arg17 : memref<!tpu.dma_semaphore, #tpu.memory_space<semaphore_mem>>) src(%dma_wait3A_189 : memref<160x64xf32, #tpu.memory_space<hbm>>) dst(%dma_wait3A_186 : memref<160x64xf32, #tpu.memory_space<vmem>>)
      %dma_wait3A_190 = arith.constant 320 : i32
      %dma_wait3A_191 = arith.constant 0 : i32
      %dma_wait3A_192 = tpu.memref_slice %arg8[%dma_wait3A_190, %dma_wait3A_191] : memref<640x64xf32, #tpu.memory_space<vmem>> -> memref<160x64xf32, #tpu.memory_space<vmem>>
      %dma_wait3A_193 = arith.constant 0 : i32
      %dma_wait3A_194 = arith.constant 0 : i32
      %dma_wait3A_195 = tpu.memref_slice %arg3[%dma_wait3A_193, %dma_wait3A_194] : memref<4546x64xf32, #tpu.memory_space<hbm>> -> memref<160x64xf32, #tpu.memory_space<hbm>>
      %dma_wait3A_196 = arith.constant 320 : i32
      %dma_wait3A_197 = arith.constant 0 : i32
      %dma_wait3A_198 = tpu.memref_slice %arg8[%dma_wait3A_196, %dma_wait3A_197] : memref<640x64xf32, #tpu.memory_space<vmem>> -> memref<160x64xf32, #tpu.memory_space<vmem>>
      %dma_wait3A_199 = arith.constant 0 : i32
      %dma_wait3A_200 = arith.constant 0 : i32
      %dma_wait3A_201 = tpu.memref_slice %arg3[%dma_wait3A_199, %dma_wait3A_200] : memref<4546x64xf32, #tpu.memory_space<hbm>> -> memref<160x64xf32, #tpu.memory_space<hbm>>
      tpu.wait_dma2 semaphore(%arg18 : memref<!tpu.dma_semaphore, #tpu.memory_space<semaphore_mem>>) src(%dma_wait3A_201 : memref<160x64xf32, #tpu.memory_space<hbm>>) dst(%dma_wait3A_198 : memref<160x64xf32, #tpu.memory_space<vmem>>)
      %dma_wait3A_202 = arith.constant 480 : i32
      %dma_wait3A_203 = arith.constant 0 : i32
      %dma_wait3A_204 = tpu.memref_slice %arg8[%dma_wait3A_202, %dma_wait3A_203] : memref<640x64xf32, #tpu.memory_space<vmem>> -> memref<160x64xf32, #tpu.memory_space<vmem>>
      %dma_wait3A_205 = arith.constant 0 : i32
      %dma_wait3A_206 = arith.constant 0 : i32
      %dma_wait3A_207 = tpu.memref_slice %arg3[%dma_wait3A_205, %dma_wait3A_206] : memref<4546x64xf32, #tpu.memory_space<hbm>> -> memref<160x64xf32, #tpu.memory_space<hbm>>
      %dma_wait3A_208 = arith.constant 480 : i32
      %dma_wait3A_209 = arith.constant 0 : i32
      %dma_wait3A_210 = tpu.memref_slice %arg8[%dma_wait3A_208, %dma_wait3A_209] : memref<640x64xf32, #tpu.memory_space<vmem>> -> memref<160x64xf32, #tpu.memory_space<vmem>>
      %dma_wait3A_211 = arith.constant 0 : i32
      %dma_wait3A_212 = arith.constant 0 : i32
      %dma_wait3A_213 = tpu.memref_slice %arg3[%dma_wait3A_211, %dma_wait3A_212] : memref<4546x64xf32, #tpu.memory_space<hbm>> -> memref<160x64xf32, #tpu.memory_space<hbm>>
      tpu.wait_dma2 semaphore(%arg19 : memref<!tpu.dma_semaphore, #tpu.memory_space<semaphore_mem>>) src(%dma_wait3A_213 : memref<160x64xf32, #tpu.memory_space<hbm>>) dst(%dma_wait3A_210 : memref<160x64xf32, #tpu.memory_space<vmem>>)
      %add3A_214 = arith.constant 2 : i32
      %add3A_215 = arith.addi %add3A_158, %add3A_214 : i32
      %lt3A_216 = arith.constant 64 : i32
      %lt3A_217 = arith.cmpi slt, %add3A_215, %lt3A_216 : i32
      %convert_element_type3A_218 = arith.extui %lt3A_217 : i1 to i32
      %cond3A_219 = arith.constant 0 : i32
      %cond3A_220 = arith.cmpi ne, %convert_element_type3A_218, %cond3A_219 : i32
      scf.if %cond3A_220 {
        %add3A_241 = arith.constant 2 : i32
        %add3A_242 = arith.addi %add3A_158, %add3A_241 : i32
        %dma_start3A_243 = arith.constant 0 : i32
        %dma_start3A_244 = tpu.memref_slice %arg2[%add3A, %add3A_242, %dma_start3A_243] : memref<32x64x640xi32, #tpu.memory_space<hbm>> -> memref<1x1x640xi32, #tpu.memory_space<hbm>>
        %dma_start3A_245 = tpu.memref_squeeze %dma_start3A_244 : memref<1x1x640xi32, #tpu.memory_space<hbm>> -> memref<640xi32, #tpu.memory_space<hbm>>
        %dma_start3A_246 = arith.constant 0 : i32
        %dma_start3A_247 = tpu.memref_slice %arg2[%add3A, %add3A_242, %dma_start3A_246] : memref<32x64x640xi32, #tpu.memory_space<hbm>> -> memref<1x1x640xi32, #tpu.memory_space<hbm>>
        %dma_start3A_248 = tpu.memref_squeeze %dma_start3A_247 : memref<1x1x640xi32, #tpu.memory_space<hbm>> -> memref<640xi32, #tpu.memory_space<hbm>>
        tpu.enqueue_dma source(%dma_start3A_248 : memref<640xi32, #tpu.memory_space<hbm>>) target(%arg6 : memref<640xi32, #tpu.memory_space<vmem>>) target_semaphore(%arg22 : memref<!tpu.dma_semaphore, #tpu.memory_space<semaphore_mem>>)
      } else {
      }
      %ge3A_221 = arith.constant 2 : i32
      %ge3A_222 = arith.cmpi sge, %add3A_158, %ge3A_221 : i32
      %convert_element_type3A_223 = arith.extui %ge3A_222 : i1 to i32
      %cond3A_224 = arith.constant 0 : i32
      %cond3A_225 = arith.cmpi ne, %convert_element_type3A_223, %cond3A_224 : i32
      scf.if %cond3A_225 {
        %dma_wait3A_241 = arith.constant 0 : i32
        %dma_wait3A_242 = arith.constant 0 : i32
        %dma_wait3A_243 = tpu.memref_slice %arg4[%dma_wait3A_241, %dma_wait3A_242] : memref<262144x64xf32, #tpu.memory_space<hbm>> -> memref<128x64xf32, #tpu.memory_space<hbm>>
        %dma_wait3A_244 = arith.constant 0 : i32
        %dma_wait3A_245 = arith.constant 0 : i32
        %dma_wait3A_246 = tpu.memref_slice %arg4[%dma_wait3A_244, %dma_wait3A_245] : memref<262144x64xf32, #tpu.memory_space<hbm>> -> memref<128x64xf32, #tpu.memory_space<hbm>>
        tpu.wait_dma2 semaphore(%arg21 : memref<!tpu.dma_semaphore, #tpu.memory_space<semaphore_mem>>) src(%arg10 : memref<128x64xf32, #tpu.memory_space<vmem>>) dst(%dma_wait3A_246 : memref<128x64xf32, #tpu.memory_space<hbm>>)
      } else {
      }
      %scan3A_226 = arith.constant 0 : i32
      %scan3A_227 = arith.constant 0 : i32
      %scan3A_228 = arith.constant 64 : i32
      %scan3A_229 = arith.addi %scan3A_227, %scan3A_228 : i32
      %scan3A_230 = arith.constant 1 : i32
      scf.for %scan3A_241 = %scan3A_227 to %scan3A_229 step %scan3A_230  : i32 {
        %mul3A_242 = arith.constant 2 : i32
        %mul3A_243 = arith.muli %scan3A_241, %mul3A_242 : i32
        %add3A_244 = arith.constant 0 : i32
        %add3A_245 = arith.addi %mul3A_243, %add3A_244 : i32
        %get3A = arith.index_cast %add3A_245 : i32 to index
        %get3A_246 = arith.constant 0 : index
        %get3A_247 = tpu.vector_load %arg8[%get3A, %get3A_246] {strides = array<i32>} : memref<640x64xf32, #tpu.memory_space<vmem>>, vector<1x16xf32>,
        %get3A_248 = vector.shape_cast %get3A_247 : vector<1x16xf32> to vector<16xf32>
        %add3A_249 = arith.constant 128 : i32
        %add3A_250 = arith.addi %add3A_249, %add3A_245 : i32
        %get3A_251 = arith.index_cast %add3A_250 : i32 to index
        %get3A_252 = arith.constant 0 : index
        %get3A_253 = tpu.vector_load %arg8[%get3A_251, %get3A_252] {strides = array<i32>} : memref<640x64xf32, #tpu.memory_space<vmem>>, vector<1x16xf32>,
        %get3A_254 = vector.shape_cast %get3A_253 : vector<1x16xf32> to vector<16xf32>
        %add3A_255 = arith.addf %get3A_248, %get3A_254 : vector<16xf32>
        %add3A_256 = arith.constant 256 : i32
        %add3A_257 = arith.addi %add3A_256, %add3A_245 : i32
        %get3A_258 = arith.index_cast %add3A_257 : i32 to index
        %get3A_259 = arith.constant 0 : index
        %get3A_260 = tpu.vector_load %arg8[%get3A_258, %get3A_259] {strides = array<i32>} : memref<640x64xf32, #tpu.memory_space<vmem>>, vector<1x16xf32>,
        %get3A_261 = vector.shape_cast %get3A_260 : vector<1x16xf32> to vector<16xf32>
        %add3A_262 = arith.constant 384 : i32
        %add3A_263 = arith.addi %add3A_262, %add3A_245 : i32
        %get3A_264 = arith.index_cast %add3A_263 : i32 to index
        %get3A_265 = arith.constant 0 : index
        %get3A_266 = tpu.vector_load %arg8[%get3A_264, %get3A_265] {strides = array<i32>} : memref<640x64xf32, #tpu.memory_space<vmem>>, vector<1x16xf32>,
        %get3A_267 = vector.shape_cast %get3A_266 : vector<1x16xf32> to vector<16xf32>
        %add3A_268 = arith.addf %get3A_261, %get3A_267 : vector<16xf32>
        %add3A_269 = arith.addf %add3A_255, %add3A_268 : vector<16xf32>
        %add3A_270 = arith.constant 512 : i32
        %add3A_271 = arith.addi %add3A_270, %add3A_245 : i32
        %get3A_272 = arith.index_cast %add3A_271 : i32 to index
        %get3A_273 = arith.constant 0 : index
        %get3A_274 = tpu.vector_load %arg8[%get3A_272, %get3A_273] {strides = array<i32>} : memref<640x64xf32, #tpu.memory_space<vmem>>, vector<1x16xf32>,
        %get3A_275 = vector.shape_cast %get3A_274 : vector<1x16xf32> to vector<16xf32>
        %add3A_276 = arith.addf %add3A_269, %get3A_275 : vector<16xf32>
        %swap3A = arith.index_cast %add3A_245 : i32 to index
        %swap3A_277 = arith.constant 0 : index
        %swap3A_278 = tpu.vector_load %arg10[%swap3A, %swap3A_277] {strides = array<i32>} : memref<128x64xf32, #tpu.memory_space<vmem>>, vector<1x16xf32>,
        %swap3A_279 = vector.shape_cast %swap3A_278 : vector<1x16xf32> to vector<16xf32>
        %swap3A_280 = vector.shape_cast %add3A_276 : vector<16xf32> to vector<1x16xf32>
        tpu.vector_store %arg10[%swap3A, %swap3A_277], %swap3A_280 {strides = array<i32>} : memref<128x64xf32, #tpu.memory_space<vmem>>, vector<1x16xf32>,
        %get3A_281 = arith.index_cast %add3A_245 : i32 to index
        %get3A_282 = arith.constant 16 : index
        %get3A_283 = tpu.vector_load %arg8[%get3A_281, %get3A_282] {strides = array<i32>} : memref<640x64xf32, #tpu.memory_space<vmem>>, vector<1x16xf32>,
        %get3A_284 = vector.shape_cast %get3A_283 : vector<1x16xf32> to vector<16xf32>
        %add3A_285 = arith.constant 128 : i32
        %add3A_286 = arith.addi %add3A_285, %add3A_245 : i32
        %get3A_287 = arith.index_cast %add3A_286 : i32 to index
        %get3A_288 = arith.constant 16 : index
        %get3A_289 = tpu.vector_load %arg8[%get3A_287, %get3A_288] {strides = array<i32>} : memref<640x64xf32, #tpu.memory_space<vmem>>, vector<1x16xf32>,
        %get3A_290 = vector.shape_cast %get3A_289 : vector<1x16xf32> to vector<16xf32>
        %add3A_291 = arith.addf %get3A_284, %get3A_290 : vector<16xf32>
        %add3A_292 = arith.constant 256 : i32
        %add3A_293 = arith.addi %add3A_292, %add3A_245 : i32
        %get3A_294 = arith.index_cast %add3A_293 : i32 to index
        %get3A_295 = arith.constant 16 : index
        %get3A_296 = tpu.vector_load %arg8[%get3A_294, %get3A_295] {strides = array<i32>} : memref<640x64xf32, #tpu.memory_space<vmem>>, vector<1x16xf32>,
        %get3A_297 = vector.shape_cast %get3A_296 : vector<1x16xf32> to vector<16xf32>
        %add3A_298 = arith.constant 384 : i32
        %add3A_299 = arith.addi %add3A_298, %add3A_245 : i32
        %get3A_300 = arith.index_cast %add3A_299 : i32 to index
        %get3A_301 = arith.constant 16 : index
        %get3A_302 = tpu.vector_load %arg8[%get3A_300, %get3A_301] {strides = array<i32>} : memref<640x64xf32, #tpu.memory_space<vmem>>, vector<1x16xf32>,
        %get3A_303 = vector.shape_cast %get3A_302 : vector<1x16xf32> to vector<16xf32>
        %add3A_304 = arith.addf %get3A_297, %get3A_303 : vector<16xf32>
        %add3A_305 = arith.addf %add3A_291, %add3A_304 : vector<16xf32>
        %add3A_306 = arith.constant 512 : i32
        %add3A_307 = arith.addi %add3A_306, %add3A_245 : i32
        %get3A_308 = arith.index_cast %add3A_307 : i32 to index
        %get3A_309 = arith.constant 16 : index
        %get3A_310 = tpu.vector_load %arg8[%get3A_308, %get3A_309] {strides = array<i32>} : memref<640x64xf32, #tpu.memory_space<vmem>>, vector<1x16xf32>,
        %get3A_311 = vector.shape_cast %get3A_310 : vector<1x16xf32> to vector<16xf32>
        %add3A_312 = arith.addf %add3A_305, %get3A_311 : vector<16xf32>
        %swap3A_313 = arith.index_cast %add3A_245 : i32 to index
        %swap3A_314 = arith.constant 16 : index
        %swap3A_315 = tpu.vector_load %arg10[%swap3A_313, %swap3A_314] {strides = array<i32>} : memref<128x64xf32, #tpu.memory_space<vmem>>, vector<1x16xf32>,
        %swap3A_316 = vector.shape_cast %swap3A_315 : vector<1x16xf32> to vector<16xf32>
        %swap3A_317 = vector.shape_cast %add3A_312 : vector<16xf32> to vector<1x16xf32>
        tpu.vector_store %arg10[%swap3A_313, %swap3A_314], %swap3A_317 {strides = array<i32>} : memref<128x64xf32, #tpu.memory_space<vmem>>, vector<1x16xf32>,
        %get3A_318 = arith.index_cast %add3A_245 : i32 to index
        %get3A_319 = arith.constant 32 : index
        %get3A_320 = tpu.vector_load %arg8[%get3A_318, %get3A_319] {strides = array<i32>} : memref<640x64xf32, #tpu.memory_space<vmem>>, vector<1x16xf32>,
        %get3A_321 = vector.shape_cast %get3A_320 : vector<1x16xf32> to vector<16xf32>
        %add3A_322 = arith.constant 128 : i32
        %add3A_323 = arith.addi %add3A_322, %add3A_245 : i32
        %get3A_324 = arith.index_cast %add3A_323 : i32 to index
        %get3A_325 = arith.constant 32 : index
        %get3A_326 = tpu.vector_load %arg8[%get3A_324, %get3A_325] {strides = array<i32>} : memref<640x64xf32, #tpu.memory_space<vmem>>, vector<1x16xf32>,
        %get3A_327 = vector.shape_cast %get3A_326 : vector<1x16xf32> to vector<16xf32>
        %add3A_328 = arith.addf %get3A_321, %get3A_327 : vector<16xf32>
        %add3A_329 = arith.constant 256 : i32
        %add3A_330 = arith.addi %add3A_329, %add3A_245 : i32
        %get3A_331 = arith.index_cast %add3A_330 : i32 to index
        %get3A_332 = arith.constant 32 : index
        %get3A_333 = tpu.vector_load %arg8[%get3A_331, %get3A_332] {strides = array<i32>} : memref<640x64xf32, #tpu.memory_space<vmem>>, vector<1x16xf32>,
        %get3A_334 = vector.shape_cast %get3A_333 : vector<1x16xf32> to vector<16xf32>
        %add3A_335 = arith.constant 384 : i32
        %add3A_336 = arith.addi %add3A_335, %add3A_245 : i32
        %get3A_337 = arith.index_cast %add3A_336 : i32 to index
        %get3A_338 = arith.constant 32 : index
        %get3A_339 = tpu.vector_load %arg8[%get3A_337, %get3A_338] {strides = array<i32>} : memref<640x64xf32, #tpu.memory_space<vmem>>, vector<1x16xf32>,
        %get3A_340 = vector.shape_cast %get3A_339 : vector<1x16xf32> to vector<16xf32>
        %add3A_341 = arith.addf %get3A_334, %get3A_340 : vector<16xf32>
        %add3A_342 = arith.addf %add3A_328, %add3A_341 : vector<16xf32>
        %add3A_343 = arith.constant 512 : i32
        %add3A_344 = arith.addi %add3A_343, %add3A_245 : i32
        %get3A_345 = arith.index_cast %add3A_344 : i32 to index
        %get3A_346 = arith.constant 32 : index
        %get3A_347 = tpu.vector_load %arg8[%get3A_345, %get3A_346] {strides = array<i32>} : memref<640x64xf32, #tpu.memory_space<vmem>>, vector<1x16xf32>,
        %get3A_348 = vector.shape_cast %get3A_347 : vector<1x16xf32> to vector<16xf32>
        %add3A_349 = arith.addf %add3A_342, %get3A_348 : vector<16xf32>
        %swap3A_350 = arith.index_cast %add3A_245 : i32 to index
        %swap3A_351 = arith.constant 32 : index
        %swap3A_352 = tpu.vector_load %arg10[%swap3A_350, %swap3A_351] {strides = array<i32>} : memref<128x64xf32, #tpu.memory_space<vmem>>, vector<1x16xf32>,
        %swap3A_353 = vector.shape_cast %swap3A_352 : vector<1x16xf32> to vector<16xf32>
        %swap3A_354 = vector.shape_cast %add3A_349 : vector<16xf32> to vector<1x16xf32>
        tpu.vector_store %arg10[%swap3A_350, %swap3A_351], %swap3A_354 {strides = array<i32>} : memref<128x64xf32, #tpu.memory_space<vmem>>, vector<1x16xf32>,
        %get3A_355 = arith.index_cast %add3A_245 : i32 to index
        %get3A_356 = arith.constant 48 : index
        %get3A_357 = tpu.vector_load %arg8[%get3A_355, %get3A_356] {strides = array<i32>} : memref<640x64xf32, #tpu.memory_space<vmem>>, vector<1x16xf32>,
        %get3A_358 = vector.shape_cast %get3A_357 : vector<1x16xf32> to vector<16xf32>
        %add3A_359 = arith.constant 128 : i32
        %add3A_360 = arith.addi %add3A_359, %add3A_245 : i32
        %get3A_361 = arith.index_cast %add3A_360 : i32 to index
        %get3A_362 = arith.constant 48 : index
        %get3A_363 = tpu.vector_load %arg8[%get3A_361, %get3A_362] {strides = array<i32>} : memref<640x64xf32, #tpu.memory_space<vmem>>, vector<1x16xf32>,
        %get3A_364 = vector.shape_cast %get3A_363 : vector<1x16xf32> to vector<16xf32>
        %add3A_365 = arith.addf %get3A_358, %get3A_364 : vector<16xf32>
        %add3A_366 = arith.constant 256 : i32
        %add3A_367 = arith.addi %add3A_366, %add3A_245 : i32
        %get3A_368 = arith.index_cast %add3A_367 : i32 to index
        %get3A_369 = arith.constant 48 : index
        %get3A_370 = tpu.vector_load %arg8[%get3A_368, %get3A_369] {strides = array<i32>} : memref<640x64xf32, #tpu.memory_space<vmem>>, vector<1x16xf32>,
        %get3A_371 = vector.shape_cast %get3A_370 : vector<1x16xf32> to vector<16xf32>
        %add3A_372 = arith.constant 384 : i32
        %add3A_373 = arith.addi %add3A_372, %add3A_245 : i32
        %get3A_374 = arith.index_cast %add3A_373 : i32 to index
        %get3A_375 = arith.constant 48 : index
        %get3A_376 = tpu.vector_load %arg8[%get3A_374, %get3A_375] {strides = array<i32>} : memref<640x64xf32, #tpu.memory_space<vmem>>, vector<1x16xf32>,
        %get3A_377 = vector.shape_cast %get3A_376 : vector<1x16xf32> to vector<16xf32>
        %add3A_378 = arith.addf %get3A_371, %get3A_377 : vector<16xf32>
        %add3A_379 = arith.addf %add3A_365, %add3A_378 : vector<16xf32>
        %add3A_380 = arith.constant 512 : i32
        %add3A_381 = arith.addi %add3A_380, %add3A_245 : i32
        %get3A_382 = arith.index_cast %add3A_381 : i32 to index
        %get3A_383 = arith.constant 48 : index
        %get3A_384 = tpu.vector_load %arg8[%get3A_382, %get3A_383] {strides = array<i32>} : memref<640x64xf32, #tpu.memory_space<vmem>>, vector<1x16xf32>,
        %get3A_385 = vector.shape_cast %get3A_384 : vector<1x16xf32> to vector<16xf32>
        %add3A_386 = arith.addf %add3A_379, %get3A_385 : vector<16xf32>
        %swap3A_387 = arith.index_cast %add3A_245 : i32 to index
        %swap3A_388 = arith.constant 48 : index
        %swap3A_389 = tpu.vector_load %arg10[%swap3A_387, %swap3A_388] {strides = array<i32>} : memref<128x64xf32, #tpu.memory_space<vmem>>, vector<1x16xf32>,
        %swap3A_390 = vector.shape_cast %swap3A_389 : vector<1x16xf32> to vector<16xf32>
        %swap3A_391 = vector.shape_cast %add3A_386 : vector<16xf32> to vector<1x16xf32>
        tpu.vector_store %arg10[%swap3A_387, %swap3A_388], %swap3A_391 {strides = array<i32>} : memref<128x64xf32, #tpu.memory_space<vmem>>, vector<1x16xf32>,
        %add3A_392 = arith.constant 1 : i32
        %add3A_393 = arith.addi %mul3A_243, %add3A_392 : i32
        %get3A_394 = arith.index_cast %add3A_393 : i32 to index
        %get3A_395 = arith.constant 0 : index
        %get3A_396 = tpu.vector_load %arg8[%get3A_394, %get3A_395] {strides = array<i32>} : memref<640x64xf32, #tpu.memory_space<vmem>>, vector<1x16xf32>,
        %get3A_397 = vector.shape_cast %get3A_396 : vector<1x16xf32> to vector<16xf32>
        %add3A_398 = arith.constant 128 : i32
        %add3A_399 = arith.addi %add3A_398, %add3A_393 : i32
        %get3A_400 = arith.index_cast %add3A_399 : i32 to index
        %get3A_401 = arith.constant 0 : index
        %get3A_402 = tpu.vector_load %arg8[%get3A_400, %get3A_401] {strides = array<i32>} : memref<640x64xf32, #tpu.memory_space<vmem>>, vector<1x16xf32>,
        %get3A_403 = vector.shape_cast %get3A_402 : vector<1x16xf32> to vector<16xf32>
        %add3A_404 = arith.addf %get3A_397, %get3A_403 : vector<16xf32>
        %add3A_405 = arith.constant 256 : i32
        %add3A_406 = arith.addi %add3A_405, %add3A_393 : i32
        %get3A_407 = arith.index_cast %add3A_406 : i32 to index
        %get3A_408 = arith.constant 0 : index
        %get3A_409 = tpu.vector_load %arg8[%get3A_407, %get3A_408] {strides = array<i32>} : memref<640x64xf32, #tpu.memory_space<vmem>>, vector<1x16xf32>,
        %get3A_410 = vector.shape_cast %get3A_409 : vector<1x16xf32> to vector<16xf32>
        %add3A_411 = arith.constant 384 : i32
        %add3A_412 = arith.addi %add3A_411, %add3A_393 : i32
        %get3A_413 = arith.index_cast %add3A_412 : i32 to index
        %get3A_414 = arith.constant 0 : index
        %get3A_415 = tpu.vector_load %arg8[%get3A_413, %get3A_414] {strides = array<i32>} : memref<640x64xf32, #tpu.memory_space<vmem>>, vector<1x16xf32>,
        %get3A_416 = vector.shape_cast %get3A_415 : vector<1x16xf32> to vector<16xf32>
        %add3A_417 = arith.addf %get3A_410, %get3A_416 : vector<16xf32>
        %add3A_418 = arith.addf %add3A_404, %add3A_417 : vector<16xf32>
        %add3A_419 = arith.constant 512 : i32
        %add3A_420 = arith.addi %add3A_419, %add3A_393 : i32
        %get3A_421 = arith.index_cast %add3A_420 : i32 to index
        %get3A_422 = arith.constant 0 : index
        %get3A_423 = tpu.vector_load %arg8[%get3A_421, %get3A_422] {strides = array<i32>} : memref<640x64xf32, #tpu.memory_space<vmem>>, vector<1x16xf32>,
        %get3A_424 = vector.shape_cast %get3A_423 : vector<1x16xf32> to vector<16xf32>
        %add3A_425 = arith.addf %add3A_418, %get3A_424 : vector<16xf32>
        %swap3A_426 = arith.index_cast %add3A_393 : i32 to index
        %swap3A_427 = arith.constant 0 : index
        %swap3A_428 = tpu.vector_load %arg10[%swap3A_426, %swap3A_427] {strides = array<i32>} : memref<128x64xf32, #tpu.memory_space<vmem>>, vector<1x16xf32>,
        %swap3A_429 = vector.shape_cast %swap3A_428 : vector<1x16xf32> to vector<16xf32>
        %swap3A_430 = vector.shape_cast %add3A_425 : vector<16xf32> to vector<1x16xf32>
        tpu.vector_store %arg10[%swap3A_426, %swap3A_427], %swap3A_430 {strides = array<i32>} : memref<128x64xf32, #tpu.memory_space<vmem>>, vector<1x16xf32>,
        %get3A_431 = arith.index_cast %add3A_393 : i32 to index
        %get3A_432 = arith.constant 16 : index
        %get3A_433 = tpu.vector_load %arg8[%get3A_431, %get3A_432] {strides = array<i32>} : memref<640x64xf32, #tpu.memory_space<vmem>>, vector<1x16xf32>,
        %get3A_434 = vector.shape_cast %get3A_433 : vector<1x16xf32> to vector<16xf32>
        %add3A_435 = arith.constant 128 : i32
        %add3A_436 = arith.addi %add3A_435, %add3A_393 : i32
        %get3A_437 = arith.index_cast %add3A_436 : i32 to index
        %get3A_438 = arith.constant 16 : index
        %get3A_439 = tpu.vector_load %arg8[%get3A_437, %get3A_438] {strides = array<i32>} : memref<640x64xf32, #tpu.memory_space<vmem>>, vector<1x16xf32>,
        %get3A_440 = vector.shape_cast %get3A_439 : vector<1x16xf32> to vector<16xf32>
        %add3A_441 = arith.addf %get3A_434, %get3A_440 : vector<16xf32>
        %add3A_442 = arith.constant 256 : i32
        %add3A_443 = arith.addi %add3A_442, %add3A_393 : i32
        %get3A_444 = arith.index_cast %add3A_443 : i32 to index
        %get3A_445 = arith.constant 16 : index
        %get3A_446 = tpu.vector_load %arg8[%get3A_444, %get3A_445] {strides = array<i32>} : memref<640x64xf32, #tpu.memory_space<vmem>>, vector<1x16xf32>,
        %get3A_447 = vector.shape_cast %get3A_446 : vector<1x16xf32> to vector<16xf32>
        %add3A_448 = arith.constant 384 : i32
        %add3A_449 = arith.addi %add3A_448, %add3A_393 : i32
        %get3A_450 = arith.index_cast %add3A_449 : i32 to index
        %get3A_451 = arith.constant 16 : index
        %get3A_452 = tpu.vector_load %arg8[%get3A_450, %get3A_451] {strides = array<i32>} : memref<640x64xf32, #tpu.memory_space<vmem>>, vector<1x16xf32>,
        %get3A_453 = vector.shape_cast %get3A_452 : vector<1x16xf32> to vector<16xf32>
        %add3A_454 = arith.addf %get3A_447, %get3A_453 : vector<16xf32>
        %add3A_455 = arith.addf %add3A_441, %add3A_454 : vector<16xf32>
        %add3A_456 = arith.constant 512 : i32
        %add3A_457 = arith.addi %add3A_456, %add3A_393 : i32
        %get3A_458 = arith.index_cast %add3A_457 : i32 to index
        %get3A_459 = arith.constant 16 : index
        %get3A_460 = tpu.vector_load %arg8[%get3A_458, %get3A_459] {strides = array<i32>} : memref<640x64xf32, #tpu.memory_space<vmem>>, vector<1x16xf32>,
        %get3A_461 = vector.shape_cast %get3A_460 : vector<1x16xf32> to vector<16xf32>
        %add3A_462 = arith.addf %add3A_455, %get3A_461 : vector<16xf32>
        %swap3A_463 = arith.index_cast %add3A_393 : i32 to index
        %swap3A_464 = arith.constant 16 : index
        %swap3A_465 = tpu.vector_load %arg10[%swap3A_463, %swap3A_464] {strides = array<i32>} : memref<128x64xf32, #tpu.memory_space<vmem>>, vector<1x16xf32>,
        %swap3A_466 = vector.shape_cast %swap3A_465 : vector<1x16xf32> to vector<16xf32>
        %swap3A_467 = vector.shape_cast %add3A_462 : vector<16xf32> to vector<1x16xf32>
        tpu.vector_store %arg10[%swap3A_463, %swap3A_464], %swap3A_467 {strides = array<i32>} : memref<128x64xf32, #tpu.memory_space<vmem>>, vector<1x16xf32>,
        %get3A_468 = arith.index_cast %add3A_393 : i32 to index
        %get3A_469 = arith.constant 32 : index
        %get3A_470 = tpu.vector_load %arg8[%get3A_468, %get3A_469] {strides = array<i32>} : memref<640x64xf32, #tpu.memory_space<vmem>>, vector<1x16xf32>,
        %get3A_471 = vector.shape_cast %get3A_470 : vector<1x16xf32> to vector<16xf32>
        %add3A_472 = arith.constant 128 : i32
        %add3A_473 = arith.addi %add3A_472, %add3A_393 : i32
        %get3A_474 = arith.index_cast %add3A_473 : i32 to index
        %get3A_475 = arith.constant 32 : index
        %get3A_476 = tpu.vector_load %arg8[%get3A_474, %get3A_475] {strides = array<i32>} : memref<640x64xf32, #tpu.memory_space<vmem>>, vector<1x16xf32>,
        %get3A_477 = vector.shape_cast %get3A_476 : vector<1x16xf32> to vector<16xf32>
        %add3A_478 = arith.addf %get3A_471, %get3A_477 : vector<16xf32>
        %add3A_479 = arith.constant 256 : i32
        %add3A_480 = arith.addi %add3A_479, %add3A_393 : i32
        %get3A_481 = arith.index_cast %add3A_480 : i32 to index
        %get3A_482 = arith.constant 32 : index
        %get3A_483 = tpu.vector_load %arg8[%get3A_481, %get3A_482] {strides = array<i32>} : memref<640x64xf32, #tpu.memory_space<vmem>>, vector<1x16xf32>,
        %get3A_484 = vector.shape_cast %get3A_483 : vector<1x16xf32> to vector<16xf32>
        %add3A_485 = arith.constant 384 : i32
        %add3A_486 = arith.addi %add3A_485, %add3A_393 : i32
        %get3A_487 = arith.index_cast %add3A_486 : i32 to index
        %get3A_488 = arith.constant 32 : index
        %get3A_489 = tpu.vector_load %arg8[%get3A_487, %get3A_488] {strides = array<i32>} : memref<640x64xf32, #tpu.memory_space<vmem>>, vector<1x16xf32>,
        %get3A_490 = vector.shape_cast %get3A_489 : vector<1x16xf32> to vector<16xf32>
        %add3A_491 = arith.addf %get3A_484, %get3A_490 : vector<16xf32>
        %add3A_492 = arith.addf %add3A_478, %add3A_491 : vector<16xf32>
        %add3A_493 = arith.constant 512 : i32
        %add3A_494 = arith.addi %add3A_493, %add3A_393 : i32
        %get3A_495 = arith.index_cast %add3A_494 : i32 to index
        %get3A_496 = arith.constant 32 : index
        %get3A_497 = tpu.vector_load %arg8[%get3A_495, %get3A_496] {strides = array<i32>} : memref<640x64xf32, #tpu.memory_space<vmem>>, vector<1x16xf32>,
        %get3A_498 = vector.shape_cast %get3A_497 : vector<1x16xf32> to vector<16xf32>
        %add3A_499 = arith.addf %add3A_492, %get3A_498 : vector<16xf32>
        %swap3A_500 = arith.index_cast %add3A_393 : i32 to index
        %swap3A_501 = arith.constant 32 : index
        %swap3A_502 = tpu.vector_load %arg10[%swap3A_500, %swap3A_501] {strides = array<i32>} : memref<128x64xf32, #tpu.memory_space<vmem>>, vector<1x16xf32>,
        %swap3A_503 = vector.shape_cast %swap3A_502 : vector<1x16xf32> to vector<16xf32>
        %swap3A_504 = vector.shape_cast %add3A_499 : vector<16xf32> to vector<1x16xf32>
        tpu.vector_store %arg10[%swap3A_500, %swap3A_501], %swap3A_504 {strides = array<i32>} : memref<128x64xf32, #tpu.memory_space<vmem>>, vector<1x16xf32>,
        %get3A_505 = arith.index_cast %add3A_393 : i32 to index
        %get3A_506 = arith.constant 48 : index
        %get3A_507 = tpu.vector_load %arg8[%get3A_505, %get3A_506] {strides = array<i32>} : memref<640x64xf32, #tpu.memory_space<vmem>>, vector<1x16xf32>,
        %get3A_508 = vector.shape_cast %get3A_507 : vector<1x16xf32> to vector<16xf32>
        %add3A_509 = arith.constant 128 : i32
        %add3A_510 = arith.addi %add3A_509, %add3A_393 : i32
        %get3A_511 = arith.index_cast %add3A_510 : i32 to index
        %get3A_512 = arith.constant 48 : index
        %get3A_513 = tpu.vector_load %arg8[%get3A_511, %get3A_512] {strides = array<i32>} : memref<640x64xf32, #tpu.memory_space<vmem>>, vector<1x16xf32>,
        %get3A_514 = vector.shape_cast %get3A_513 : vector<1x16xf32> to vector<16xf32>
        %add3A_515 = arith.addf %get3A_508, %get3A_514 : vector<16xf32>
        %add3A_516 = arith.constant 256 : i32
        %add3A_517 = arith.addi %add3A_516, %add3A_393 : i32
        %get3A_518 = arith.index_cast %add3A_517 : i32 to index
        %get3A_519 = arith.constant 48 : index
        %get3A_520 = tpu.vector_load %arg8[%get3A_518, %get3A_519] {strides = array<i32>} : memref<640x64xf32, #tpu.memory_space<vmem>>, vector<1x16xf32>,
        %get3A_521 = vector.shape_cast %get3A_520 : vector<1x16xf32> to vector<16xf32>
        %add3A_522 = arith.constant 384 : i32
        %add3A_523 = arith.addi %add3A_522, %add3A_393 : i32
        %get3A_524 = arith.index_cast %add3A_523 : i32 to index
        %get3A_525 = arith.constant 48 : index
        %get3A_526 = tpu.vector_load %arg8[%get3A_524, %get3A_525] {strides = array<i32>} : memref<640x64xf32, #tpu.memory_space<vmem>>, vector<1x16xf32>,
        %get3A_527 = vector.shape_cast %get3A_526 : vector<1x16xf32> to vector<16xf32>
        %add3A_528 = arith.addf %get3A_521, %get3A_527 : vector<16xf32>
        %add3A_529 = arith.addf %add3A_515, %add3A_528 : vector<16xf32>
        %add3A_530 = arith.constant 512 : i32
        %add3A_531 = arith.addi %add3A_530, %add3A_393 : i32
        %get3A_532 = arith.index_cast %add3A_531 : i32 to index
        %get3A_533 = arith.constant 48 : index
        %get3A_534 = tpu.vector_load %arg8[%get3A_532, %get3A_533] {strides = array<i32>} : memref<640x64xf32, #tpu.memory_space<vmem>>, vector<1x16xf32>,
        %get3A_535 = vector.shape_cast %get3A_534 : vector<1x16xf32> to vector<16xf32>
        %add3A_536 = arith.addf %add3A_529, %get3A_535 : vector<16xf32>
        %swap3A_537 = arith.index_cast %add3A_393 : i32 to index
        %swap3A_538 = arith.constant 48 : index
        %swap3A_539 = tpu.vector_load %arg10[%swap3A_537, %swap3A_538] {strides = array<i32>} : memref<128x64xf32, #tpu.memory_space<vmem>>, vector<1x16xf32>,
        %swap3A_540 = vector.shape_cast %swap3A_539 : vector<1x16xf32> to vector<16xf32>
        %swap3A_541 = vector.shape_cast %add3A_536 : vector<16xf32> to vector<1x16xf32>
        tpu.vector_store %arg10[%swap3A_537, %swap3A_538], %swap3A_541 {strides = array<i32>} : memref<128x64xf32, #tpu.memory_space<vmem>>, vector<1x16xf32>,
      }
      %scan3A_231 = arith.constant 64 : i32
      %mul3A_232 = arith.constant 8192 : i32
      %mul3A_233 = arith.muli %add3A, %mul3A_232 : i32
      %mul3A_234 = arith.constant 128 : i32
      %mul3A_235 = arith.muli %add3A_158, %mul3A_234 : i32
      %add3A_236 = arith.addi %mul3A_233, %mul3A_235 : i32
      %dma_start3A_237 = arith.constant 0 : i32
      %dma_start3A_238 = tpu.memref_slice %arg4[%add3A_236, %dma_start3A_237] : memref<262144x64xf32, #tpu.memory_space<hbm>> -> memref<128x64xf32, #tpu.memory_space<hbm>>
      %dma_start3A_239 = arith.constant 0 : i32
      %dma_start3A_240 = tpu.memref_slice %arg4[%add3A_236, %dma_start3A_239] : memref<262144x64xf32, #tpu.memory_space<hbm>> -> memref<128x64xf32, #tpu.memory_space<hbm>>
      tpu.enqueue_dma source(%arg10 : memref<128x64xf32, #tpu.memory_space<vmem>>) target(%dma_start3A_240 : memref<128x64xf32, #tpu.memory_space<hbm>>) target_semaphore(%arg21 : memref<!tpu.dma_semaphore, #tpu.memory_space<semaphore_mem>>)
    }
    %scan3A_59 = arith.constant 32 : i32
    %dma_wait3A_60 = arith.constant 0 : i32
    %dma_wait3A_61 = arith.constant 0 : i32
    %dma_wait3A_62 = tpu.memref_slice %arg4[%dma_wait3A_60, %dma_wait3A_61] : memref<262144x64xf32, #tpu.memory_space<hbm>> -> memref<128x64xf32, #tpu.memory_space<hbm>>
    %dma_wait3A_63 = arith.constant 0 : i32
    %dma_wait3A_64 = arith.constant 0 : i32
    %dma_wait3A_65 = tpu.memref_slice %arg4[%dma_wait3A_63, %dma_wait3A_64] : memref<262144x64xf32, #tpu.memory_space<hbm>> -> memref<128x64xf32, #tpu.memory_space<hbm>>
    tpu.wait_dma2 semaphore(%arg20 : memref<!tpu.dma_semaphore, #tpu.memory_space<semaphore_mem>>) src(%arg9 : memref<128x64xf32, #tpu.memory_space<vmem>>) dst(%dma_wait3A_65 : memref<128x64xf32, #tpu.memory_space<hbm>>)
    %dma_wait3A_66 = arith.constant 0 : i32
    %dma_wait3A_67 = arith.constant 0 : i32
    %dma_wait3A_68 = tpu.memref_slice %arg4[%dma_wait3A_66, %dma_wait3A_67] : memref<262144x64xf32, #tpu.memory_space<hbm>> -> memref<128x64xf32, #tpu.memory_space<hbm>>
    %dma_wait3A_69 = arith.constant 0 : i32
    %dma_wait3A_70 = arith.constant 0 : i32
    %dma_wait3A_71 = tpu.memref_slice %arg4[%dma_wait3A_69, %dma_wait3A_70] : memref<262144x64xf32, #tpu.memory_space<hbm>> -> memref<128x64xf32, #tpu.memory_space<hbm>>
    tpu.wait_dma2 semaphore(%arg21 : memref<!tpu.dma_semaphore, #tpu.memory_space<semaphore_mem>>) src(%arg10 : memref<128x64xf32, #tpu.memory_space<vmem>>) dst(%dma_wait3A_71 : memref<128x64xf32, #tpu.memory_space<hbm>>)
    return
  }
}

</mosaic_0001>

<sc_bundles>
// kernel: kernel.3.cloned.1.call-start
scs
__scs_entry_jumppad:
0x0: {  	(pc) =	sbr.rel $0x88, $3  }
0x1: {  	(tag) =	ssettag $0x0;
	lr =	simm.s32 $0x1  }
0x2: {  	[smem:$0x3F9B] =	sst lr;
	_ =	strace $0xD0000000  }
0x3: {  	_ = 	snop  }
0x4: {  	_ = 	snop  }
0x5: {  	_ = 	snop  }
0x6: {  	_ = 	snop  }
0x7: {  	_ = 	snop  }
__scs_overlays_trampoline_lowered:
0x8: {  	[smem:$0x3FAA] =	sst s0  }
0x9: {  	[smem:$0x3FAB] =	sst s1  }
0xa: {  	[smem:$0x3FAC] =	sst s2  }
0xb: {  	[smem:$0x3FAD] =	sst s3  }
0xc: {  	[smem:$0x3FAE] =	sst s4  }
0xd: {  	[smem:$0x3FAF] =	sst s5  }
0xe: {  	[smem:$0x3FB0] =	sst s6  }
0xf: {  	[smem:$0x3FB1] =	sst s7  }
0x10: {  	[smem:$0x3FB2] =	sst s8  }
0x11: {  	[smem:$0x3FB3] =	sst s9;
	s0 =	simm.s32 @!p0 $0x0  }
0x12: {  	s1 =	sld [smem:$0x3F99];
	s0 =	simm.s32 @p0 $0x1  }
0x13: {  	[smem:$0x3FB4] =	sst s0;
	s0 =	simm.s32 @!p1 $0x0  }
0x14: {  	s2 =	sld [smem:$0x3F98];
	s0 =	simm.s32 @p1 $0x1  }
0x15: {  	[smem:$0x3FB5] =	sst s0;
	s0 =	simm.s32 @!p2 $0x0  }
0x16: {  	s3 =	sld [smem:$0x3FDB];
	s0 =	simm.s32 @p2 $0x1  }
0x17: {  	s4 =	simm.s32 $0x1BF5;
	[smem:$0x3FB7] =	sst s0  }
0x18: {  	s0 =	sld [smem:$0x3F9A];
	_ =	swait.ge [sflag:s4], $0x0  }
0x19: {  	s7 =	sld [smem:$0x3F9B]  }
0x1a: {  	s8 =	sadd.s32 $0xFFFFE003, lr  }
0x1b: {  	s9 =	sadd.s32 $0xFFFFFEF7, lr;
	s5 =	simm.s32 $0xFFFFFFFF;
	p2 =	slt.u32 s8, $0xFFFFF086  }
0x1c: {  	p1 =	slt.u32 s9, $0xF7A;
	s5 =	simm.s32 @!p2 $0x0  }
0x1d: {  	s5 =	simm.s32 @p1 $0x1;
	p0 =	seq.s32 s7, s2  }
0x1e: {  	s7 =	smul.u32 @!p0 $0xF7A, s2;
	p2 =	seq.s32 @!p0 s5, $0x0  }
0x1f: {  	s9 =	smul.u32 $0xF7A, s1;
	s8 =	simm.s32 @!p0 $0x1BF5;
	p2 =	por !p2, p0  }
0x20: {  	[sflag:s8] =	ssyncset.s32 @!p0 $0xFFFFF086;
	s6 =	sadd.s32 @!p0 s3, s7;
	s7 =	simm.s32 @!p0 $0x108  }
0x21: {  	s3 =	sadd.s32 s3, s9;
	s6 =	sadd.s32 @!p0 $0x88, s6;
	s7 =	simm.s32 @p2 $0x1082  }
0x22: {  	[simem:s7], [sflag:s8] =	dma.local @!p0 [hbm:s6], $0xF7A  }
0x23: {  	s9 =	sor.u32 $0xD0000000, s2;
	s6 =	simm.s32 $0x108;
	_ =	swait.ge @!p0 [sflag:s8], $0x0  }
0x24: {  	s3 =	sadd.s32 $0x88, s3;
	s6 =	simm.s32 @!p1 $0x1082;
	[sflag:s4] =	ssyncset.s32 $0xFFFFF086  }
0x25: {  	[simem:s6], [sflag:s4] =	dma.local [hbm:s3], $0xF7A  }
0x26: {  	[smem:$0x3F9B] =	sst s1;
	(tag) =	ssettag s2;
	_ =	strace s9  }
0x27: {  	s1 =	sld [smem:$0x3FAB]  }
0x28: {  	s2 =	sld [smem:$0x3FAC]  }
0x29: {  	s4 =	sld [smem:$0x3FAE]  }
0x2a: {  	p0 =	seq.s32 s5, $0x0;
	s5 =	sld [smem:$0x3FAF]  }
0x2b: {  	s6 =	sld [smem:$0x3FB0]  }
0x2c: {  	s7 =	sld [smem:$0x3FB1]  }
0x2d: {  	s3 =	simm.s32 $0x108;
	s8 =	sld [smem:$0x3FB2]  }
0x2e: {  	s3 =	simm.s32 @!p0 $0x1082;
	s9 =	sld [smem:$0x3FB3]  }
0x2f: {  	lr =	sadd.s32 s0, s3;
	s0 =	sld [smem:$0x3FAA]  }
0x30: {  	s3 =	sld [smem:$0x3FAD]  }
0x31: {  	[smem:$0x3FB6] =	sst s10  }
0x32: {  	s10 =	sld [smem:$0x3FB4];
	_ =	sdelay $0x3  }
0x33: {  	p0 =	seq.s32 s10, $0x1;
	s10 =	sld [smem:$0x3FB6];
	_ =	sdelay $0x3  }
0x34: {  	[smem:$0x3FB6] =	sst s10  }
0x35: {  	s10 =	sld [smem:$0x3FB5];
	_ =	sdelay $0x3  }
0x36: {  	p1 =	seq.s32 s10, $0x1;
	s10 =	sld [smem:$0x3FB6];
	_ =	sdelay $0x3  }
0x37: {  	[smem:$0x3FB6] =	sst s10  }
0x38: {  	s10 =	sld [smem:$0x3FB7]  }
0x39: {  	_ = 	snop;
	(pc) =	sbr.ind lr, $3  }
0x3a: {  	_ = 	snop  }
0x3b: {  	_ = 	snop  }
0x3c: {  	p2 =	seq.s32 s10, $0x1;
	s10 =	sld [smem:$0x3FB6]  }
0x3d: {  	_ =	shalt  }
0x3e: {  	_ =	shalt  }
0x3f: {  	_ =	shalt  }
0x40: {  	_ =	shalt  }
0x41: {  	_ =	shalt  }
0x42: {  	_ =	shalt  }
0x43: {  	_ =	shalt  }
0x44: {  	_ =	shalt  }
0x45: {  	_ =	shalt  }
0x46: {  	_ =	shalt  }
0x47: {  	_ =	shalt  }
0x48: {  	_ =	shalt  }
0x49: {  	_ =	shalt  }
0x4a: {  	_ =	shalt  }
0x4b: {  	_ =	shalt  }
0x4c: {  	_ =	shalt  }
0x4d: {  	_ =	shalt  }
0x4e: {  	_ =	shalt  }
0x4f: {  	_ =	shalt  }
0x50: {  	_ =	shalt  }
0x51: {  	_ =	shalt  }
0x52: {  	_ =	shalt  }
0x53: {  	_ =	shalt  }
0x54: {  	_ =	shalt  }
0x55: {  	_ =	shalt  }
0x56: {  	_ =	shalt  }
0x57: {  	_ =	shalt  }
0x58: {  	_ =	shalt  }
0x59: {  	_ =	shalt  }
0x5a: {  	_ =	shalt  }
0x5b: {  	_ =	shalt  }
0x5c: {  	_ =	shalt  }
0x5d: {  	_ =	shalt  }
0x5e: {  	_ =	shalt  }
0x5f: {  	_ =	shalt  }
0x60: {  	_ =	shalt  }
0x61: {  	_ =	shalt  }
0x62: {  	_ =	shalt  }
0x63: {  	_ =	shalt  }
0x64: {  	_ =	shalt  }
0x65: {  	_ =	shalt  }
0x66: {  	_ =	shalt  }
0x67: {  	_ =	shalt  }
0x68: {  	_ =	shalt  }
0x69: {  	_ =	shalt  }
0x6a: {  	_ =	shalt  }
0x6b: {  	_ =	shalt  }
0x6c: {  	_ =	shalt  }
0x6d: {  	_ =	shalt  }
0x6e: {  	_ =	shalt  }
0x6f: {  	_ =	shalt  }
0x70: {  	_ =	shalt  }
0x71: {  	_ =	shalt  }
0x72: {  	_ =	shalt  }
0x73: {  	_ =	shalt  }
0x74: {  	_ =	shalt  }
0x75: {  	_ =	shalt  }
0x76: {  	_ =	shalt  }
0x77: {  	_ =	shalt  }
0x78: {  	_ =	shalt  }
0x79: {  	_ =	shalt  }
0x7a: {  	_ =	shalt  }
0x7b: {  	_ =	shalt  }
0x7c: {  	_ =	shalt  }
0x7d: {  	_ =	shalt  }
0x7e: {  	_ =	shalt  }
0x7f: {  	_ =	shalt  }
0x80: {  	_ =	shalt  }
0x81: {  	_ =	shalt  }
0x82: {  	_ =	shalt  }
0x83: {  	_ =	shalt  }
0x84: {  	_ =	shalt  }
0x85: {  	_ =	shalt  }
0x86: {  	_ =	shalt  }
0x87: {  	_ =	shalt  }
.Lfunc_end0:
.L_simem_size_0:
called_computation.1_lowered:
.L_overlay_start_0:
0x88: {  	s2 =	sld [smem:$0x3FD9]  }
0x89: {  	s3 =	sld [smem:$0x3FFE];
	_ =	sdelay $0x1  }
0x8a: {  	s1 =	srdreg.scid  }
0x8b: {  	s0 =	sand.u32 $0x1, s1  }
0x8c: {  	s17 =	sshll.u32 s0, $0xA;
	s2 =	sadd.s32 s3, s2  }
0x8d: {  	s2 =	sadd.s32 s2, s17  }
0x8e: {  	[smem:$0x3FC2] =	sst s2  }
0x8f: {  	_ = 	snop  }
0x90: {  	s2 =	sld [smem:$0x3FD0];
	(tm) =	ssettm $0x1  }
0x91: {  	s18 =	sld [smem:$0x3FFB];
	_ =	sdelay $0x3  }
0x92: {  	_ =	strace s18  }
0x93: {  	s3 =	sld [smem:$0x3FFC];
	_ =	sdelay $0x3  }
0x94: {  	_ =	strace s3  }
0x95: {  	s3 =	sld [smem:$0x3FFD];
	_ =	sdelay $0x3  }
0x96: {  	_ =	strace s3  }
0x97: {  	_ =	strace $0x8FFFFFFF  }
0x98: {  	s19 =	sld [smem:$0x3FDB];
	_ =	sdelay $0x1  }
0x99: {  	s4 =	simm.s32 $_scs_section_size  }
0x9a: {  	s5 =	simm.s32 $_size__tile_overlayer_lowered;
	s6 =	simm.s32 $_tile_overlayer_lowered  }
0x9b: {  	s22 =	simm.s32 $0x1BFF;
	s21 =	sshll.u32 s6, $0x1;
	s3 =	sadd.s32 s4, s19  }
0x9c: {  	s7 =	simm.s32 $0x0;
	s20 =	sshll.u32 s5, $0x1;
	s5 =	sadd.s32 s21, s3  }
0x9d: {  	[timem:s7], [sflag:s22] =	dma.local [hbm:s5], s20  }
0x9e: {  	_ =	swait.ge [sflag:s22], s20  }
0x9f: {  	s4 =	ssub.s32 $0x0, s20;
	[sflag:s22] =	ssyncset.done $0x0  }
0xa0: {  	[sflag:s22] =	ssyncadd.s32 s4;
	_ =	sdelay $0x1  }
0xa1: {  	s23 =	simm.s32 $0x1B8B  }
0xa2: {  	_ =	swait.ge [sflag:s23], $0x1  }
0xa3: {  	[sflag:s23] =	ssyncset.done $0x0  }
0xa4: {  	s25 =	simm.s32 $0x1B8E;
	s24 =	sld [smem:$0x3FFE];
	[sflag:s23] =	ssyncadd.s32 $0xFFFFFFFF  }
0xa5: {  	s26 =	simm.s32 $execute0_lowered;
	[smem:$0x3FD2] =	sst s25  }
0xa6: {  	s5 =	sshll.u32 s26, $0x1;
	_ =	strace $0x80000046;
	[dreg:$0x1] =	wrdreg $0xFFFFFFFF  }
0xa7: {  	s28 =	simm.s32 $_size_execute0_lowered;
	s3 =	sadd.s32 s3, s5;
	[dreg:$0x0] =	wrdreg $0x0  }
0xa8: {  	s5 =	sshll.u32 s28, $0x1;
	[dreg:$0x2] =	wrdreg s3  }
0xa9: {  	[dreg:$0x3] =	wrdreg s5  }
0xaa: {  	[dreg:$0x4] =	wrdreg $0xC0  }
0xab: {  	_ =	task [dreg:s7], $0x5FFFF  }
0xac: {  	[dreg:$0x1] =	wrdreg $0xFFFFFFFF  }
0xad: {  	[dreg:$0x0] =	wrdreg $0x60  }
0xae: {  	[dreg:$0x2] =	wrdreg s24  }
0xaf: {  	[dreg:$0x3] =	wrdreg s2  }
0xb0: {  	[dreg:$0x4] =	wrdreg $0x185000  }
0xb1: {  	[dreg:$0x5] =	wrdreg $0x9  }
0xb2: {  	_ =	task.clear_ibuf [dreg:s7], $0x6FFFF;
	_ =	strace $0x90000046  }
0xb3: {  	s29 =	simm.s32 $0x9;
	_ =	strace $0x80000048  }
0xb4: {  	_ =	swait.ge [sflag:s29], $0x1  }
0xb5: {  	[sflag:s29] =	ssyncadd.s32 $0xFFFFFFFF  }
0xb6: {  	_ =	strace $0x90000048  }
0xb7: {  	_ =	sfence  }
0xb8: {  	s30 =	sld [smem:$0x0];
	_ =	sdelay $0x2  }
0xb9: {  	s31 =	sshll.u32 s1, $0xD;
	s1 =	sshrl.u32 s1, $0x2  }
0xba: {  	s3 =	sand.u32 $0x4000, s31;
	s1 =	sadd.s32 s1, s30  }
0xbb: {  	s0 =	sor.u32 s3, s0;
	s1 =	sshll.u32 s1, $0x11  }
0xbc: {  	s0 =	sor.u32 s1, s0  }
0xbd: {  	s0 =	sadd.s32 $0x8F2B, s0  }
0xbe: {  	[sflag:s0] =	ssyncadd.remote.s32 $0x1  }
0xbf: {  	_ =	sfence.sel $0xFFFF  }
0xc0: {  	[dreg:$0x0] =	wrdreg $0xFFFFFFFF;
	(pc) =	sbr.abs _section_cstart, $3  }
0xc1: {  	[dreg:$0x1] =	wrdreg $0xFFFFFFFF  }
0xc2: {  	_ =	task.clear_ibuf [dreg:s7], $0x2FFFF;
	_ =	strace $0x9FFFFFFF  }
0xc3: {  	(tm) =	ssettm $0x7FFFFFFF  }
tec
execute0_lowered:
.L_overlay_start_1:
0x0: {  	(tag) =	ssettag $0x1  }
0x1: {  	s0 =	rddreg [dreg:$0x0]  }
0x2: {  	s4 =	rddreg [dreg:$0x1];
	s2 =	srdreg.scid  }
0x3: {  	s5 =	stileid.u32;
	s1 =	rddreg [dreg:$0x2];
	s12 =	simm.s32 $0xB  }
0x4: {  	s13 =	simm.s32 $0xA0;
	s20 =	simm.s32 $0x280;
	s28 =	simm.s32 $0x11D00  }
0x5: {  	s29 =	simm.s32 $0x1;
	s30 =	simm.s32 $0x2;
	s31 =	simm.s32 $0x3  }
0x6: {  	s14 =	simm.s32 $0x14500;
	s15 =	simm.s32 $0x5;
	s16 =	simm.s32 $0x6  }
0x7: {  	s17 =	simm.s32 $0x7;
	s18 =	simm.s32 $0x8;
	s19 =	simm.s32 $0x16500  }
0x8: {  	s10 =	simm.s32 $0x0;
	s6 =	sand.u32 $0x1, s2;
	s3 =	sshll.u32 s5, $0x1  }
0x9: {  	s2 =	simm.s32 $0x0;
	p0 =	sne.s32 s5, $0x0;
	s7 =	sor.u32 s6, s3  }
0xa: {  	[smem:$0x7FF] =	sst s2;
	s3 =	sadd.s32 $0xA000, s0;
	s6 =	ssub.s32 $0x2, s6  }
0xb: {  	s0 =	sadd.s32 $0x1000, s0;
	s9 =	smul.u32 $0xA000, s7;
	_ =	strace $0x80000047  }
0xc: {  	[dreg:$0x4] =	wrdreg s0;
	s24 =	sshrl.u32 s6, $0x1;
	s25 =	sshll.u32 s7, $0x10  }
0xd: {  	s0 =	ssub.s32 s6, s24;
	s6 =	simm.s32 $0xA;
	s8 =	sshrl.u32 s9, $0x3  }
0xe: {  	s7 =	sor.u32 $0x500, s9;
	s9 =	sor.u32 $0x780, s9;
	s0 =	smax.u32 s0, $0x1  }
0xf: {  	s8 =	sadd.s32 s3, s8;
	[dreg:$0x7] =	wrdreg s0;
	s0 =	sshrl.u32 @!p0 s1, $0x3  }
0x10: {  	[dreg:$0x5] =	wrdreg s8;
	s26 =	sadd.s32 $0x50, s8;
	s8 =	sadd.s32 s4, s25  }
0x11: {  	[dreg:$0x8] =	wrdreg s0;
	s25 =	simm.s32 $0xF500;
	s0 =	simm.s32 $0x4  }
0x12: {  	s4 =	simm.s32 $0x9;
	[dreg:$0x6] =	wrdreg s26;
	s26 =	simm.s32 $0x460  }
.LBB2_1:
0x13: {  	[dreg:$0x9] =	wrdreg s10  }
0x14: {  	s10 =	rddreg [dreg:$0x4]  }
0x15: {  	s5 =	simm.s32 @!p0 $0x1C0C;
	s11 =	rddreg [dreg:$0x8]  }
0x16: {  	[spmem:s11], [sflag:s5] =	dma.local @!p0 [hbm:s10], $0x8E10  }
0x17: {  	s5 =	simm.s32 @!p0 $0xC  }
0x18: {  	_ =	swait.ge @!p0 [sflag:s5], $0x8E10  }
0x19: {  	[sflag:s5] =	ssyncset.done @!p0 $0x0  }
0x1a: {  	[sflag:s5] =	ssyncadd.s32 @!p0 $0xFFFF71F0  }
0x1b: {  	[bflag:$0x0] =	sbarrier.arrive $0xFFFF  }
0x1c: {  	s23 =	rddreg [dreg:$0x5]  }
0x1d: {  	[tilespmem:s2], [sflag:$0xB] =	stream.linear.gather [hbm4b:s23+s2], $0x280, $0x38;
	[tilespmem:$0x1CC08] =	vst v63  }
0x1e: {  	_ =	swait.ge [sflag:s12], $0x280  }
0x1f: {  	[sflag:s12] =	ssyncset.done $0x0  }
0x20: {  	s24 =	simm.s32 $0x500;
	[sflag:s12] =	ssyncadd.s32 $0xFFFFFD80  }
0x21: {  	[tilespmem:s24], [sflag:$0x1] =	stream.indirect.gather [spmem:s1], $0x40, s2, s13, $0xb8;
	[tilespmem:$0x1CC08] =	vst v63  }
0x22: {  	s10 =	simm.s32 $0x2D00  }
0x23: {  	[tilespmem:s10], [sflag:$0x2] =	stream.indirect.gather [spmem:s1], $0x40, s13, s13, $0xb8;
	[tilespmem:$0x1CC08] =	vst v63  }
0x24: {  	s21 =	simm.s32 $0x5500;
	s11 =	simm.s32 $0x140  }
0x25: {  	[tilespmem:s21], [sflag:$0x3] =	stream.indirect.gather [spmem:s1], $0x40, s11, s13, $0xb8;
	[tilespmem:$0x1CC08] =	vst v63  }
0x26: {  	s22 =	simm.s32 $0x1E0;
	s23 =	simm.s32 $0x7D00  }
0x27: {  	[tilespmem:s23], [sflag:$0x4] =	stream.indirect.gather [spmem:s1], $0x40, s22, s13, $0xb8;
	[tilespmem:$0x1CC08] =	vst v63  }
0x28: {  	s24 =	rddreg [dreg:$0x6];
	s11 =	simm.s32 $0x0  }
0x29: {  	[tilespmem:s20], [sflag:$0xB] =	stream.linear.gather [hbm4b:s24+s2], $0x280, $0x38;
	[tilespmem:$0x1CC08] =	vst v63  }
.LBB2_2:
0x2a: {  	_ =	swait.ge [sflag:s12], $0x280  }
0x2b: {  	[sflag:s12] =	ssyncset.done $0x0  }
0x2c: {  	s5 =	simm.s32 $0xA500;
	[sflag:s12] =	ssyncadd.s32 $0xFFFFFD80  }
0x2d: {  	[tilespmem:s5], [sflag:$0x5] =	stream.indirect.gather [spmem:s1], $0x40, s20, s13, $0xb8;
	[tilespmem:$0x1CC08] =	vst v63  }
0x2e: {  	s23 =	simm.s32 $0x320;
	s10 =	simm.s32 $0xCD00  }
0x2f: {  	[tilespmem:s10], [sflag:$0x6] =	stream.indirect.gather [spmem:s1], $0x40, s23, s13, $0xb8;
	[tilespmem:$0x1CC08] =	vst v63  }
0x30: {  	s24 =	simm.s32 $0x3C0  }
0x31: {  	[tilespmem:s25], [sflag:$0x7] =	stream.indirect.gather [spmem:s1], $0x40, s24, s13, $0xb8;
	[tilespmem:$0x1CC08] =	vst v63  }
0x32: {  	_ = 	snop  }
0x33: {  	[tilespmem:s28], [sflag:$0x8] =	stream.indirect.gather [spmem:s1], $0x40, s26, s13, $0xb8;
	[tilespmem:$0x1CC08] =	vst v63  }
0x34: {  	_ =	swait.ge [sflag:s29], $0x2800  }
0x35: {  	[sflag:s29] =	ssyncset.done $0x0  }
0x36: {  	[sflag:s29] =	ssyncadd.s32 $0xFFFFD800  }
0x37: {  	_ =	swait.ge [sflag:s30], $0x2800  }
0x38: {  	[sflag:s30] =	ssyncset.done $0x0  }
0x39: {  	p1 =	seq.s32 s11, $0x1F;
	[sflag:s30] =	ssyncadd.s32 $0xFFFFD800  }
0x3a: {  	p2 =	seq.s32 @!p1 s11, $0x0;
	_ =	swait.ge [sflag:s31], $0x2800  }
0x3b: {  	p2 =	por p1, !p2;
	s10 =	smul.u32 @!p1 $0x500, s11;
	[sflag:s31] =	ssyncset.done $0x0  }
.Ltmp0:
0x3c: {  	[sflag:s31] =	ssyncadd.s32 $0xFFFFD800;
	(pc) =	sbr.rel @!p2 .LBB2_3-.Ltmp0, $4  }
0x3d: {  	s5 =	sadd.s32 @!p1 s10, s7;
	_ =	swait.ge [sflag:s0], $0x2800  }
0x3e: {  	s5 =	sshrl.u32 @!p1 s5, $0x3;
	[sflag:s0] =	ssyncset.done $0x0  }
0x3f: {  	s21 =	simm.s32 @!p1 $0x0;
	s5 =	sadd.s32 @!p1 s3, s5;
	[sflag:s0] =	ssyncadd.s32 $0xFFFFD800  }
0x40: {  	[tilespmem:s21], [sflag:$0xB] =	stream.linear.gather @!p1 [hbm4b:s5+s21], $0x280, $0x38;
	[tilespmem:$0x1CC08] =	vst v63  }
.Ltmp1:
0x41: {  	(pc) =	sbr.rel .LBB2_5-.Ltmp1, $4  }
0x42: {  	_ = 	snop  }
0x43: {  	_ =	swait.ge [sflag:s4], $0x2000  }
0x44: {  	[sflag:s4] =	ssyncset.done $0x0  }
0x45: {  	p2 =	por $0x0, $0x0;
	[sflag:s4] =	ssyncadd.s32 $0xFFFFE000  }
.LBB2_3:
0x46: {  	p2 =	por @!p1 $0x1, $0x1  }
.LBB2_5:
0x47: {  	s22 =	simm.s32 $0x0  }
0x48: {  	v0 =	vld [tilespmem:s22+$0x570]  }
0x49: {  	v1 =	vld [tilespmem:s22+$0x2570]  }
0x4a: {  	v2 =	vld [tilespmem:s22+$0x4570]  }
0x4b: {  	v3 =	vld [tilespmem:s22+$0x6570]  }
0x4c: {  	v4 =	vld [tilespmem:s22+$0x500]  }
0x4d: {  	v5 =	vld [tilespmem:s22+$0x2500]  }
0x4e: {  	v6 =	vld [tilespmem:s22+$0x4500]  }
0x4f: {  	v7 =	vld [tilespmem:s22+$0x8570]  }
0x50: {  	v8 =	vld [tilespmem:s22+$0x6500]  }
0x51: {  	v9 =	vld [tilespmem:s22+$0x6510]  }
0x52: {  	v10 =	vld [tilespmem:s22+$0x2520]  }
0x53: {  	v11 =	vld [tilespmem:s22+$0x6520]  }
0x54: {  	v12 =	vld [tilespmem:s22+$0x530]  }
0x55: {  	v13 =	vld [tilespmem:s22+$0x2530]  }
0x56: {  	v14 =	vld [tilespmem:s22+$0x4530]  }
0x57: {  	v15 =	vld [tilespmem:s22+$0x6530]  }
0x58: {  	v16 =	vld [tilespmem:s22+$0x540]  }
0x59: {  	v17 =	vld [tilespmem:s22+$0x2540]  }
0x5a: {  	v18 =	vld [tilespmem:s22+$0x4540]  }
0x5b: {  	v19 =	vld [tilespmem:s22+$0x6540]  }
0x5c: {  	v20 =	vld [tilespmem:s22+$0x550]  }
0x5d: {  	v21 =	vld [tilespmem:s22+$0x2550]  }
0x5e: {  	v22 =	vld [tilespmem:s22+$0x4550]  }
0x5f: {  	v23 =	vld [tilespmem:s22+$0x6550]  }
0x60: {  	v24 =	vld [tilespmem:s22+$0x560]  }
0x61: {  	v26 =	vld [tilespmem:s22+$0x4560]  }
0x62: {  	v27 =	vld [tilespmem:s22+$0x6560];
	v0 =	vadd.f32 v1, v0;
	v1 =	vadd.f32 v3, v2  }
0x63: {  	v2 =	vld [tilespmem:s22+$0x510]  }
0x64: {  	v3 =	vld [tilespmem:s22+$0x2510];
	v0 =	vadd.f32 v1, v0  }
0x65: {  	v4 =	vadd.f32 v5, v4;
	v5 =	vadd.f32 v8, v6;
	v6 =	vld [tilespmem:s22+$0x8500]  }
0x66: {  	v1 =	vld [tilespmem:s22+$0x4510];
	v0 =	vadd.f32 v0, v7  }
0x67: {  	v7 =	vld [tilespmem:s22+$0x520]  }
0x68: {  	v60 =	vadd.f32 v21, v20;
	v4 =	vadd.f32 v5, v4;
	[tilespmem:s22+$0x14570] =	vst v0;
	v0 =	vld [tilespmem:s22+$0x4520]  }
0x69: {  	v25 =	vld [tilespmem:s22+$0x2560];
	v61 =	vadd.f32 v23, v22;
	v62 =	vadd.f32 v27, v26  }
0x6a: {  	v59 =	vld [tilespmem:s22+$0x8540];
	v2 =	vadd.f32 v3, v2;
	v4 =	vadd.f32 v4, v6  }
0x6b: {  	v8 =	vld [tilespmem:s22+$0x8510];
	v1 =	vadd.f32 v9, v1;
	v9 =	vadd.f32 v13, v12  }
0x6c: {  	v3 =	vadd.f32 v10, v7;
	v7 =	vld [tilespmem:s22+$0x8520];
	v10 =	vadd.f32 v15, v14  }
0x6d: {  	v6 =	vadd.f32 v19, v18;
	v0 =	vadd.f32 v11, v0;
	v11 =	vld [tilespmem:s22+$0x8530]  }
0x6e: {  	v1 =	vadd.f32 v1, v2;
	v2 =	vld [tilespmem:s22+$0x8550];
	v9 =	vadd.f32 v10, v9  }
0x6f: {  	s23 =	simm.s32 $0x80;
	v10 =	vadd.f32 v17, v16;
	v5 =	vadd.f32 v0, v3;
	v3 =	vld [tilespmem:s22+$0x8560]  }
0x70: {  	v8 =	vadd.f32 v1, v8;
	v0 =	vld [tilespmem:s23+$0x570];
	[tilespmem:s22+$0x14500] =	vst v4;
	v4 =	vadd.f32 v25, v24  }
0x71: {  	v10 =	vadd.f32 v6, v10;
	v63 =	vadd.f32 v5, v7  }
0x72: {  	s21 =	sshll.u32 s11, $0xB;
	v1 =	vld [tilespmem:s23+$0x2570];
	[tilespmem:s22+$0x14510] =	vst v8;
	v5 =	vadd.f32 v61, v60;
	v7 =	vadd.f32 v9, v11  }
0x73: {  	s24 =	simm.s32 $0x400;
	s5 =	sor.u32 $0x400, s21;
	v6 =	vadd.f32 v62, v4;
	v4 =	vld [tilespmem:s23+$0x4570];
	v8 =	vadd.f32 v10, v59;
	[tilespmem:s22+$0x14520] =	vst v63  }
.LBB2_6:
0x74: {  	p3 =	sne.s32 s24, $0x7E00;
	v9 =	vld [tilespmem:s23+$0x6570];
	[tilespmem:s22+$0x14530] =	vst v7;
	v2 =	vadd.f32 v5, v2  }
0x75: {  	v5 =	vld [tilespmem:s23+$0x500];
	[tilespmem:s22+$0x14540] =	vst v8;
	v3 =	vadd.f32 v6, v3  }
0x76: {  	v6 =	vld [tilespmem:s23+$0x2500];
	[tilespmem:s22+$0x14550] =	vst v2  }
0x77: {  	v2 =	vld [tilespmem:s23+$0x4500];
	[tilespmem:s22+$0x14560] =	vst v3;
	s22 =	smov.u32 s23  }
0x78: {  	v3 =	vld [tilespmem:s22+$0x8570]  }
0x79: {  	v0 =	vadd.f32 v1, v0;
	v7 =	vld [tilespmem:s22+$0x6500];
	v1 =	vadd.f32 v9, v4  }
0x7a: {  	v4 =	vld [tilespmem:s22+$0x510]  }
0x7b: {  	v5 =	vadd.f32 v6, v5;
	v6 =	vld [tilespmem:s22+$0x2510];
	v0 =	vadd.f32 v1, v0  }
0x7c: {  	v1 =	vld [tilespmem:s22+$0x4510]  }
0x7d: {  	v8 =	vld [tilespmem:s22+$0x6510];
	v0 =	vadd.f32 v0, v3  }
0x7e: {  	v2 =	vadd.f32 v7, v2;
	v3 =	vld [tilespmem:s22+$0x520]  }
0x7f: {  	v7 =	vld [tilespmem:s22+$0x2520];
	[tilespmem:s22+$0x14570] =	vst v0  }
0x80: {  	v0 =	vadd.f32 v2, v5;
	v2 =	vadd.f32 v6, v4;
	v4 =	vld [tilespmem:s22+$0x4520]  }
0x81: {  	v5 =	vld [tilespmem:s22+$0x6520]  }
0x82: {  	v1 =	vadd.f32 v8, v1;
	v6 =	vld [tilespmem:s22+$0x530]  }
0x83: {  	v8 =	vld [tilespmem:s22+$0x2530]  }
0x84: {  	v1 =	vadd.f32 v1, v2;
	v2 =	vadd.f32 v7, v3;
	v3 =	vld [tilespmem:s22+$0x4530]  }
0x85: {  	v7 =	vld [tilespmem:s22+$0x6530]  }
0x86: {  	v4 =	vadd.f32 v5, v4;
	v5 =	vld [tilespmem:s22+$0x540]  }
0x87: {  	v9 =	vld [tilespmem:s22+$0x2540]  }
0x88: {  	v4 =	vadd.f32 v4, v2;
	v2 =	vadd.f32 v8, v6;
	v6 =	vld [tilespmem:s22+$0x4540]  }
0x89: {  	v8 =	vld [tilespmem:s22+$0x6540]  }
0x8a: {  	v3 =	vadd.f32 v7, v3;
	v7 =	vld [tilespmem:s22+$0x550]  }
0x8b: {  	v10 =	vld [tilespmem:s22+$0x2550]  }
0x8c: {  	v11 =	vadd.f32 v3, v2;
	v2 =	vadd.f32 v9, v5;
	v3 =	vld [tilespmem:s22+$0x4550]  }
0x8d: {  	v5 =	vld [tilespmem:s22+$0x6550]  }
0x8e: {  	v6 =	vadd.f32 v8, v6;
	v8 =	vld [tilespmem:s22+$0x560]  }
0x8f: {  	v9 =	vld [tilespmem:s22+$0x2560]  }
0x90: {  	v12 =	vadd.f32 v6, v2;
	v2 =	vadd.f32 v10, v7;
	v6 =	vld [tilespmem:s22+$0x4560]  }
0x91: {  	v7 =	vld [tilespmem:s22+$0x6560]  }
0x92: {  	v10 =	vld [tilespmem:s22+$0x8500];
	v3 =	vadd.f32 v5, v3  }
0x93: {  	v13 =	vld [tilespmem:s22+$0x8510]  }
0x94: {  	v14 =	vld [tilespmem:s22+$0x8520];
	v5 =	vadd.f32 v3, v2;
	v3 =	vadd.f32 v9, v8  }
0x95: {  	v8 =	vld [tilespmem:s22+$0x8530]  }
0x96: {  	v9 =	vld [tilespmem:s22+$0x8540];
	v6 =	vadd.f32 v7, v6  }
.Ltmp2:
0x97: {  	v7 =	vadd.f32 v0, v10;
	v2 =	vld [tilespmem:s22+$0x8550];
	(pc) =	sbr.rel @p3 .LBB2_6-.Ltmp2, $4  }
0x98: {  	s23 =	sshra.s32 s24, $0x2;
	v10 =	vadd.f32 v1, v13;
	v6 =	vadd.f32 v6, v3;
	v3 =	vld [tilespmem:s22+$0x8560]  }
0x99: {  	v0 =	vld [tilespmem:s23+$0x570];
	[tilespmem:s22+$0x14500] =	vst v7;
	v13 =	vadd.f32 v4, v14  }
0x9a: {  	v1 =	vld [tilespmem:s23+$0x2570];
	[tilespmem:s22+$0x14510] =	vst v10;
	v7 =	vadd.f32 v11, v8  }
0x9b: {  	s24 =	sadd.s32 $0x200, s24;
	v4 =	vld [tilespmem:s23+$0x4570];
	[tilespmem:s22+$0x14520] =	vst v13;
	v8 =	vadd.f32 v12, v9  }
0x9c: {  	v9 =	vld [tilespmem:s23+$0x6570];
	[tilespmem:s22+$0x14530] =	vst v7;
	v2 =	vadd.f32 v5, v2  }
0x9d: {  	v7 =	vld [tilespmem:s23+$0x500];
	[tilespmem:s22+$0x14540] =	vst v8;
	v3 =	vadd.f32 v6, v3  }
0x9e: {  	v5 =	vld [tilespmem:s23+$0x2500];
	[tilespmem:s22+$0x14550] =	vst v2  }
0x9f: {  	v2 =	vld [tilespmem:s23+$0x4500];
	[tilespmem:s22+$0x14560] =	vst v3  }
0xa0: {  	v3 =	vld [tilespmem:s23+$0x8570]  }
0xa1: {  	v6 =	vld [tilespmem:s23+$0x6500]  }
0xa2: {  	v8 =	vld [tilespmem:s23+$0x2510]  }
0xa3: {  	v10 =	vld [tilespmem:s23+$0x2520]  }
0xa4: {  	v11 =	vld [tilespmem:s23+$0x6520]  }
0xa5: {  	v12 =	vld [tilespmem:s23+$0x530]  }
0xa6: {  	v13 =	vld [tilespmem:s23+$0x2530]  }
0xa7: {  	v14 =	vld [tilespmem:s23+$0x4530]  }
0xa8: {  	v15 =	vld [tilespmem:s23+$0x6530]  }
0xa9: {  	v16 =	vld [tilespmem:s23+$0x540]  }
0xaa: {  	v17 =	vld [tilespmem:s23+$0x2540]  }
0xab: {  	v18 =	vld [tilespmem:s23+$0x4540]  }
0xac: {  	v19 =	vld [tilespmem:s23+$0x6540]  }
0xad: {  	v20 =	vld [tilespmem:s23+$0x550]  }
0xae: {  	v21 =	vld [tilespmem:s23+$0x2550]  }
0xaf: {  	v22 =	vld [tilespmem:s23+$0x4550]  }
0xb0: {  	v0 =	vadd.f32 v1, v0;
	v23 =	vld [tilespmem:s23+$0x6550];
	v1 =	vadd.f32 v9, v4  }
0xb1: {  	v43 =	vld [tilespmem:s23+$0x8520]  }
0xb2: {  	v4 =	vld [tilespmem:s23+$0x510];
	v0 =	vadd.f32 v1, v0  }
0xb3: {  	v9 =	vld [tilespmem:s23+$0x6510]  }
0xb4: {  	v1 =	vld [tilespmem:s23+$0x4510];
	v0 =	vadd.f32 v0, v3  }
0xb5: {  	v3 =	vld [tilespmem:s23+$0x520]  }
0xb6: {  	[tilespmem:s23+$0x14570] =	vst v0;
	v0 =	vld [tilespmem:s23+$0x4520]  }
0xb7: {  	v5 =	vadd.f32 v5, v7;
	v7 =	vld [tilespmem:s23+$0x2560];
	v2 =	vadd.f32 v6, v2  }
0xb8: {  	v6 =	vld [tilespmem:s23+$0x560];
	v41 =	vadd.f32 v17, v16;
	v4 =	vadd.f32 v8, v4  }
0xb9: {  	v8 =	vld [tilespmem:s23+$0x4560];
	v2 =	vadd.f32 v2, v5;
	v1 =	vadd.f32 v9, v1  }
0xba: {  	v5 =	vld [tilespmem:s23+$0x8500];
	v9 =	vadd.f32 v13, v12;
	v3 =	vadd.f32 v10, v3  }
0xbb: {  	v10 =	vadd.f32 v15, v14;
	v0 =	vadd.f32 v11, v0;
	v11 =	vld [tilespmem:s23+$0x8510]  }
0xbc: {  	v42 =	vadd.f32 v19, v18;
	v1 =	vadd.f32 v1, v4;
	v4 =	vld [tilespmem:s23+$0x6560]  }
0xbd: {  	v0 =	vadd.f32 v0, v3;
	v3 =	vadd.f32 v10, v9;
	v9 =	vld [tilespmem:s23+$0x8530]  }
0xbe: {  	v45 =	vld [tilespmem:s23+$0x8540];
	v44 =	vadd.f32 v21, v20;
	v46 =	vadd.f32 v23, v22  }
0xbf: {  	v6 =	vadd.f32 v7, v6;
	v2 =	vadd.f32 v2, v5;
	v5 =	vld [tilespmem:s23+$0x8550]  }
0xc0: {  	v7 =	vld [tilespmem:s23+$0x8560];
	v10 =	vadd.f32 v42, v41;
	v1 =	vadd.f32 v1, v11  }
0xc1: {  	[tilespmem:s23+$0x14500] =	vst v2;
	v4 =	vadd.f32 v4, v8;
	v0 =	vadd.f32 v0, v43  }
0xc2: {  	v2 =	vadd.f32 v46, v44;
	[tilespmem:s23+$0x14510] =	vst v1;
	v1 =	vadd.f32 v3, v9  }
0xc3: {  	[tilespmem:s23+$0x14520] =	vst v0;
	v0 =	vadd.f32 v10, v45;
	v3 =	vadd.f32 v4, v6  }
0xc4: {  	[tilespmem:s23+$0x14530] =	vst v1;
	v1 =	vadd.f32 v2, v5  }
0xc5: {  	[tilespmem:s23+$0x14540] =	vst v0;
	v0 =	vadd.f32 v3, v7  }
0xc6: {  	[tilespmem:s23+$0x14550] =	vst v1  }
0xc7: {  	s21 =	sadd.s32 s21, s8;
	[tilespmem:s23+$0x14560] =	vst v0  }
0xc8: {  	[hbm4b:s21+s2] =	stream.linear.scatter [tilespmem:s14], [sflag:$0x9], $0x2000, $0x38;
	[tilespmem:$0x1CC08] =	vst v63  }
0xc9: {  	s21 =	simm.s32 @!p1 $0xB  }
0xca: {  	_ =	swait.ge @!p1 [sflag:s21], $0x280  }
0xcb: {  	s22 =	simm.s32 @!p1 $0x0;
	[sflag:s21] =	ssyncset.done @!p1 $0x0  }
0xcc: {  	s23 =	simm.s32 @!p1 $0x500;
	[sflag:s21] =	ssyncadd.s32 @!p1 $0xFFFFFD80;
	s21 =	simm.s32 @!p1 $0xA0  }
0xcd: {  	[tilespmem:s23], [sflag:$0x1] =	stream.indirect.gather @!p1 [spmem:s1], $0x40, s22, s21, $0xb8;
	[tilespmem:$0x1CC08] =	vst v63  }
0xce: {  	s23 =	simm.s32 @!p1 $0x2D00  }
0xcf: {  	[tilespmem:s23], [sflag:$0x2] =	stream.indirect.gather @!p1 [spmem:s1], $0x40, s21, s21, $0xb8;
	[tilespmem:$0x1CC08] =	vst v63  }
0xd0: {  	s24 =	simm.s32 @!p1 $0x5500;
	s23 =	simm.s32 @!p1 $0x140  }
0xd1: {  	[tilespmem:s24], [sflag:$0x3] =	stream.indirect.gather @!p1 [spmem:s1], $0x40, s23, s21, $0xb8;
	[tilespmem:$0x1CC08] =	vst v63  }
0xd2: {  	s23 =	simm.s32 @!p1 $0x1E0;
	s24 =	simm.s32 @!p1 $0x7D00  }
0xd3: {  	[tilespmem:s24], [sflag:$0x4] =	stream.indirect.gather @!p1 [spmem:s1], $0x40, s23, s21, $0xb8;
	[tilespmem:$0x1CC08] =	vst v63  }
0xd4: {  	_ =	swait.ge [sflag:s15], $0x2800  }
0xd5: {  	[sflag:s15] =	ssyncset.done $0x0  }
0xd6: {  	[sflag:s15] =	ssyncadd.s32 $0xFFFFD800  }
0xd7: {  	_ =	swait.ge [sflag:s16], $0x2800  }
0xd8: {  	[sflag:s16] =	ssyncset.done $0x0  }
0xd9: {  	[sflag:s16] =	ssyncadd.s32 $0xFFFFD800  }
0xda: {  	_ =	swait.ge [sflag:s17], $0x2800  }
0xdb: {  	[sflag:s17] =	ssyncset.done $0x0  }
0xdc: {  	[sflag:s17] =	ssyncadd.s32 $0xFFFFD800  }
0xdd: {  	s10 =	sadd.s32 @!p1 s10, s9;
	_ =	swait.ge [sflag:s18], $0x2800  }
0xde: {  	s10 =	sshrl.u32 @!p1 s10, $0x3;
	[sflag:s18] =	ssyncset.done $0x0  }
0xdf: {  	s10 =	sadd.s32 @!p1 s3, s10;
	s21 =	simm.s32 @!p1 $0x280;
	[sflag:s18] =	ssyncadd.s32 $0xFFFFD800  }
0xe0: {  	[tilespmem:s21], [sflag:$0xB] =	stream.linear.gather @!p1 [hbm4b:s10+s22], $0x280, $0x38;
	[tilespmem:$0x1CC08] =	vst v63  }
0xe1: {  	p1 =	por p1, !p2  }
0xe2: {  	_ =	swait.ge @p1 [sflag:s6], $0x2000  }
0xe3: {  	[sflag:s6] =	ssyncset.done @p1 $0x0  }
0xe4: {  	s10 =	simm.s32 $0x0;
	[sflag:s6] =	ssyncadd.s32 @p1 $0xFFFFE000  }
0xe5: {  	v0 =	vld [tilespmem:s10+$0xA570]  }
0xe6: {  	v1 =	vld [tilespmem:s10+$0xC570]  }
0xe7: {  	v2 =	vld [tilespmem:s10+$0xE570]  }
0xe8: {  	v3 =	vld [tilespmem:s10+$0x10570]  }
0xe9: {  	v4 =	vld [tilespmem:s10+$0xA500]  }
0xea: {  	v5 =	vld [tilespmem:s10+$0xC500]  }
0xeb: {  	v6 =	vld [tilespmem:s10+$0xE500]  }
0xec: {  	v7 =	vld [tilespmem:s10+$0x12570]  }
0xed: {  	v8 =	vld [tilespmem:s10+$0x10500]  }
0xee: {  	v9 =	vld [tilespmem:s10+$0x10510]  }
0xef: {  	v10 =	vld [tilespmem:s10+$0xC520]  }
0xf0: {  	v11 =	vld [tilespmem:s10+$0x10520]  }
0xf1: {  	v47 =	vld [tilespmem:s10+$0xA530]  }
0xf2: {  	v48 =	vld [tilespmem:s10+$0xC530]  }
0xf3: {  	v49 =	vld [tilespmem:s10+$0xE530]  }
0xf4: {  	v50 =	vld [tilespmem:s10+$0x10530]  }
0xf5: {  	v51 =	vld [tilespmem:s10+$0xA540]  }
0xf6: {  	v52 =	vld [tilespmem:s10+$0xC540]  }
0xf7: {  	v53 =	vld [tilespmem:s10+$0xE540]  }
0xf8: {  	v54 =	vld [tilespmem:s10+$0x10540]  }
0xf9: {  	v55 =	vld [tilespmem:s10+$0xA550]  }
0xfa: {  	v56 =	vld [tilespmem:s10+$0xC550]  }
0xfb: {  	v57 =	vld [tilespmem:s10+$0xE550]  }
0xfc: {  	v58 =	vld [tilespmem:s10+$0x10550]  }
0xfd: {  	v24 =	vld [tilespmem:s10+$0xA560]  }
0xfe: {  	v26 =	vld [tilespmem:s10+$0xE560]  }
0xff: {  	v27 =	vld [tilespmem:s10+$0x10560];
	v0 =	vadd.f32 v1, v0;
	v1 =	vadd.f32 v3, v2  }
0x100: {  	v2 =	vld [tilespmem:s10+$0xA510]  }
0x101: {  	v3 =	vld [tilespmem:s10+$0xC510];
	v0 =	vadd.f32 v1, v0  }
0x102: {  	v4 =	vadd.f32 v5, v4;
	v5 =	vadd.f32 v8, v6;
	v6 =	vld [tilespmem:s10+$0x12500]  }
0x103: {  	v1 =	vld [tilespmem:s10+$0xE510];
	v0 =	vadd.f32 v0, v7  }
0x104: {  	v7 =	vld [tilespmem:s10+$0xA520]  }
0x105: {  	v60 =	vadd.f32 v56, v55;
	v4 =	vadd.f32 v5, v4;
	[tilespmem:s10+$0x16570] =	vst v0;
	v0 =	vld [tilespmem:s10+$0xE520]  }
0x106: {  	v25 =	vld [tilespmem:s10+$0xC560];
	v61 =	vadd.f32 v58, v57;
	v62 =	vadd.f32 v27, v26  }
0x107: {  	v59 =	vld [tilespmem:s10+$0x12540];
	v2 =	vadd.f32 v3, v2;
	v4 =	vadd.f32 v4, v6  }
0x108: {  	v8 =	vld [tilespmem:s10+$0x12510];
	v1 =	vadd.f32 v9, v1;
	v9 =	vadd.f32 v48, v47  }
0x109: {  	v3 =	vadd.f32 v10, v7;
	v7 =	vld [tilespmem:s10+$0x12520];
	v10 =	vadd.f32 v50, v49  }
0x10a: {  	v6 =	vadd.f32 v54, v53;
	v0 =	vadd.f32 v11, v0;
	v11 =	vld [tilespmem:s10+$0x12530]  }
0x10b: {  	v1 =	vadd.f32 v1, v2;
	v2 =	vld [tilespmem:s10+$0x12550];
	v9 =	vadd.f32 v10, v9  }
0x10c: {  	s21 =	simm.s32 $0x80;
	v10 =	vadd.f32 v52, v51;
	v5 =	vadd.f32 v0, v3;
	v3 =	vld [tilespmem:s10+$0x12560]  }
0x10d: {  	v8 =	vadd.f32 v1, v8;
	v0 =	vld [tilespmem:s21+$0xA570];
	[tilespmem:s10+$0x16500] =	vst v4;
	v4 =	vadd.f32 v25, v24  }
0x10e: {  	v10 =	vadd.f32 v6, v10;
	v63 =	vadd.f32 v5, v7  }
0x10f: {  	v1 =	vld [tilespmem:s21+$0xC570];
	[tilespmem:s10+$0x16510] =	vst v8;
	v5 =	vadd.f32 v61, v60;
	v7 =	vadd.f32 v9, v11  }
0x110: {  	s22 =	simm.s32 $0x400;
	v6 =	vadd.f32 v62, v4;
	v4 =	vld [tilespmem:s21+$0xE570];
	v8 =	vadd.f32 v10, v59;
	[tilespmem:s10+$0x16520] =	vst v63  }
.LBB2_8:
0x111: {  	p1 =	sne.s32 s22, $0x7E00;
	v9 =	vld [tilespmem:s21+$0x10570];
	[tilespmem:s10+$0x16530] =	vst v7;
	v2 =	vadd.f32 v5, v2  }
0x112: {  	v5 =	vld [tilespmem:s21+$0xA500];
	[tilespmem:s10+$0x16540] =	vst v8;
	v3 =	vadd.f32 v6, v3  }
0x113: {  	v6 =	vld [tilespmem:s21+$0xC500];
	[tilespmem:s10+$0x16550] =	vst v2  }
0x114: {  	v2 =	vld [tilespmem:s21+$0xE500];
	[tilespmem:s10+$0x16560] =	vst v3;
	s10 =	smov.u32 s21  }
0x115: {  	v3 =	vld [tilespmem:s10+$0x12570]  }
0x116: {  	v0 =	vadd.f32 v1, v0;
	v7 =	vld [tilespmem:s10+$0x10500];
	v1 =	vadd.f32 v9, v4  }
0x117: {  	v4 =	vld [tilespmem:s10+$0xA510]  }
0x118: {  	v5 =	vadd.f32 v6, v5;
	v6 =	vld [tilespmem:s10+$0xC510];
	v0 =	vadd.f32 v1, v0  }
0x119: {  	v1 =	vld [tilespmem:s10+$0xE510]  }
0x11a: {  	v8 =	vld [tilespmem:s10+$0x10510];
	v0 =	vadd.f32 v0, v3  }
0x11b: {  	v2 =	vadd.f32 v7, v2;
	v3 =	vld [tilespmem:s10+$0xA520]  }
0x11c: {  	v7 =	vld [tilespmem:s10+$0xC520];
	[tilespmem:s10+$0x16570] =	vst v0  }
0x11d: {  	v0 =	vadd.f32 v2, v5;
	v2 =	vadd.f32 v6, v4;
	v4 =	vld [tilespmem:s10+$0xE520]  }
0x11e: {  	v5 =	vld [tilespmem:s10+$0x10520]  }
0x11f: {  	v1 =	vadd.f32 v8, v1;
	v6 =	vld [tilespmem:s10+$0xA530]  }
0x120: {  	v8 =	vld [tilespmem:s10+$0xC530]  }
0x121: {  	v1 =	vadd.f32 v1, v2;
	v2 =	vadd.f32 v7, v3;
	v3 =	vld [tilespmem:s10+$0xE530]  }
0x122: {  	v7 =	vld [tilespmem:s10+$0x10530]  }
0x123: {  	v4 =	vadd.f32 v5, v4;
	v5 =	vld [tilespmem:s10+$0xA540]  }
0x124: {  	v9 =	vld [tilespmem:s10+$0xC540]  }
0x125: {  	v4 =	vadd.f32 v4, v2;
	v2 =	vadd.f32 v8, v6;
	v6 =	vld [tilespmem:s10+$0xE540]  }
0x126: {  	v8 =	vld [tilespmem:s10+$0x10540]  }
0x127: {  	v3 =	vadd.f32 v7, v3;
	v7 =	vld [tilespmem:s10+$0xA550]  }
0x128: {  	v10 =	vld [tilespmem:s10+$0xC550]  }
0x129: {  	v11 =	vadd.f32 v3, v2;
	v2 =	vadd.f32 v9, v5;
	v3 =	vld [tilespmem:s10+$0xE550]  }
0x12a: {  	v5 =	vld [tilespmem:s10+$0x10550]  }
0x12b: {  	v6 =	vadd.f32 v8, v6;
	v8 =	vld [tilespmem:s10+$0xA560]  }
0x12c: {  	v9 =	vld [tilespmem:s10+$0xC560]  }
0x12d: {  	v12 =	vadd.f32 v6, v2;
	v2 =	vadd.f32 v10, v7;
	v6 =	vld [tilespmem:s10+$0xE560]  }
0x12e: {  	v7 =	vld [tilespmem:s10+$0x10560]  }
0x12f: {  	v10 =	vld [tilespmem:s10+$0x12500];
	v3 =	vadd.f32 v5, v3  }
0x130: {  	v13 =	vld [tilespmem:s10+$0x12510]  }
0x131: {  	v14 =	vld [tilespmem:s10+$0x12520];
	v5 =	vadd.f32 v3, v2;
	v3 =	vadd.f32 v9, v8  }
0x132: {  	v8 =	vld [tilespmem:s10+$0x12530]  }
0x133: {  	v9 =	vld [tilespmem:s10+$0x12540];
	v6 =	vadd.f32 v7, v6  }
.Ltmp3:
0x134: {  	v7 =	vadd.f32 v0, v10;
	v2 =	vld [tilespmem:s10+$0x12550];
	(pc) =	sbr.rel @p1 .LBB2_8-.Ltmp3, $4  }
0x135: {  	s21 =	sshra.s32 s22, $0x2;
	v10 =	vadd.f32 v1, v13;
	v6 =	vadd.f32 v6, v3;
	v3 =	vld [tilespmem:s10+$0x12560]  }
0x136: {  	v0 =	vld [tilespmem:s21+$0xA570];
	[tilespmem:s10+$0x16500] =	vst v7;
	v13 =	vadd.f32 v4, v14  }
0x137: {  	v1 =	vld [tilespmem:s21+$0xC570];
	[tilespmem:s10+$0x16510] =	vst v10;
	v7 =	vadd.f32 v11, v8  }
0x138: {  	s22 =	sadd.s32 $0x200, s22;
	v4 =	vld [tilespmem:s21+$0xE570];
	[tilespmem:s10+$0x16520] =	vst v13;
	v8 =	vadd.f32 v12, v9  }
0x139: {  	v9 =	vld [tilespmem:s21+$0x10570];
	[tilespmem:s10+$0x16530] =	vst v7;
	v2 =	vadd.f32 v5, v2  }
0x13a: {  	v7 =	vld [tilespmem:s21+$0xA500];
	[tilespmem:s10+$0x16540] =	vst v8;
	v3 =	vadd.f32 v6, v3  }
0x13b: {  	v31 =	vld [tilespmem:s21+$0xC500];
	[tilespmem:s10+$0x16550] =	vst v2  }
0x13c: {  	v2 =	vld [tilespmem:s21+$0xE500];
	[tilespmem:s10+$0x16560] =	vst v3  }
0x13d: {  	v3 =	vld [tilespmem:s21+$0x12570]  }
0x13e: {  	v32 =	vld [tilespmem:s21+$0x10500]  }
0x13f: {  	v34 =	vld [tilespmem:s21+$0xA510]  }
0x140: {  	v8 =	vld [tilespmem:s21+$0xC510]  }
0x141: {  	v35 =	vld [tilespmem:s21+$0xE510]  }
0x142: {  	v36 =	vld [tilespmem:s21+$0x10510]  }
0x143: {  	v37 =	vld [tilespmem:s21+$0xA520]  }
0x144: {  	v10 =	vld [tilespmem:s21+$0xC520]  }
0x145: {  	v38 =	vld [tilespmem:s21+$0xE520]  }
0x146: {  	v11 =	vld [tilespmem:s21+$0x10520]  }
0x147: {  	v12 =	vld [tilespmem:s21+$0xA530]  }
0x148: {  	v13 =	vld [tilespmem:s21+$0xC530]  }
0x149: {  	v14 =	vld [tilespmem:s21+$0xE530]  }
0x14a: {  	v15 =	vld [tilespmem:s21+$0x10530]  }
0x14b: {  	v16 =	vld [tilespmem:s21+$0xA540]  }
0x14c: {  	v17 =	vld [tilespmem:s21+$0xC540]  }
0x14d: {  	v18 =	vld [tilespmem:s21+$0xE540]  }
0x14e: {  	v19 =	vld [tilespmem:s21+$0x10540]  }
0x14f: {  	v20 =	vld [tilespmem:s21+$0xA550]  }
0x150: {  	v0 =	vadd.f32 v1, v0;
	v21 =	vld [tilespmem:s21+$0xC550];
	v33 =	vadd.f32 v9, v4  }
0x151: {  	v22 =	vld [tilespmem:s21+$0xE550]  }
0x152: {  	v23 =	vld [tilespmem:s21+$0x10550];
	v0 =	vadd.f32 v33, v0  }
0x153: {  	v39 =	vld [tilespmem:s21+$0xA560];
	v5 =	vadd.f32 v31, v7  }
0x154: {  	v40 =	vld [tilespmem:s21+$0xC560];
	v0 =	vadd.f32 v0, v3;
	v2 =	vadd.f32 v32, v2  }
0x155: {  	v41 =	vld [tilespmem:s21+$0xE560];
	v4 =	vadd.f32 v8, v34;
	v1 =	vadd.f32 v36, v35  }
0x156: {  	v42 =	vld [tilespmem:s21+$0x10560];
	v3 =	vadd.f32 v10, v37;
	v44 =	vadd.f32 v13, v12  }
0x157: {  	v43 =	vld [tilespmem:s21+$0x12500];
	v45 =	vadd.f32 v15, v14;
	v47 =	vadd.f32 v17, v16  }
0x158: {  	v46 =	vld [tilespmem:s21+$0x12510];
	v48 =	vadd.f32 v19, v18;
	v53 =	vadd.f32 v21, v20  }
0x159: {  	v51 =	vld [tilespmem:s21+$0x12530];
	v55 =	vadd.f32 v23, v22;
	v6 =	vadd.f32 v40, v39  }
0x15a: {  	v54 =	vld [tilespmem:s21+$0x12540];
	v2 =	vadd.f32 v2, v5;
	v1 =	vadd.f32 v1, v4  }
0x15b: {  	v56 =	vld [tilespmem:s21+$0x12550];
	[tilespmem:s21+$0x16570] =	vst v0;
	v0 =	vadd.f32 v11, v38;
	v50 =	vadd.f32 v45, v44  }
0x15c: {  	v49 =	vld [tilespmem:s21+$0x12520];
	v52 =	vadd.f32 v48, v47;
	v2 =	vadd.f32 v2, v43  }
0x15d: {  	v57 =	vld [tilespmem:s21+$0x12560];
	v4 =	vadd.f32 v42, v41;
	v1 =	vadd.f32 v1, v46  }
0x15e: {  	v58 =	vadd.f32 v55, v53;
	v59 =	vadd.f32 v50, v51;
	[tilespmem:s21+$0x16500] =	vst v2  }
0x15f: {  	s11 =	sadd.s32 $0x1, s11;
	v0 =	vadd.f32 v0, v3;
	v61 =	vadd.f32 v52, v54;
	[tilespmem:s21+$0x16510] =	vst v1  }
0x160: {  	p1 =	sne.s32 s11, $0x20;
	v60 =	vadd.f32 v4, v6;
	v62 =	vadd.f32 v58, v56;
	[tilespmem:s21+$0x16530] =	vst v59  }
.Ltmp4:
0x161: {  	v0 =	vadd.f32 v0, v49;
	[tilespmem:s21+$0x16540] =	vst v61;
	(pc) =	sbr.rel @p1 .LBB2_2-.Ltmp4, $4  }
0x162: {  	v63 =	vadd.f32 v60, v57;
	[tilespmem:s21+$0x16550] =	vst v62  }
0x163: {  	[tilespmem:s21+$0x16520] =	vst v0  }
0x164: {  	s5 =	sadd.s32 s5, s8;
	[tilespmem:s21+$0x16560] =	vst v63  }
0x165: {  	[hbm4b:s5+s2] =	stream.linear.scatter [tilespmem:s19], [sflag:$0xA], $0x2000, $0x38;
	[tilespmem:$0x1CC08] =	vst v63  }
0x166: {  	_ =	swait.ge [sflag:s4], $0x2000  }
0x167: {  	[sflag:s4] =	ssyncset.done $0x0  }
0x168: {  	[sflag:s4] =	ssyncadd.s32 $0xFFFFE000  }
0x169: {  	_ =	swait.ge [sflag:s6], $0x2000  }
0x16a: {  	s10 =	rddreg [dreg:$0x9]  }
0x16b: {  	s5 =	rddreg [dreg:$0x7];
	s10 =	sadd.s32 $0x1, s10  }
0x16c: {  	p1 =	sne.s32 s10, s5  }
.Ltmp5:
0x16d: {  	_ = 	snop;
	(pc) =	sbr.rel @p1 .LBB2_1-.Ltmp5, $3  }
0x16e: {  	_ =	sdelay $0x1  }
0x16f: {  	[sflag:s6] =	ssyncset.done $0x0  }
0x170: {  	[sflag:s6] =	ssyncadd.s32 $0xFFFFE000  }
0x171: {  	_ =	sfence.sel $0x180000  }
0x172: {  	[bflag:$0x0] =	sbarrier.arrive $0xFFFF  }
0x173: {  	_ =	strace $0x90000047  }
0x174: {  	[bflag:$0x2] =	sbarrier.arrive $0xFFFF  }
0x175: {  	s0 =	rddreg [dreg:$0x3]  }
0x176: {  	s0 =	sadd.s32 @!p0 $0x100000, s0  }
0x177: {  	[sflag:s0] =	ssyncadd.tile.s32 @!p0 $0x1;
	_ =	shalt  }
.Lfunc_end2:
_tile_overlayer_lowered:
.L_overlay_start_2:
0x178: {  	(tag) =	ssettag $0x2  }
0x179: {  	s0 =	rddreg [dreg:$0x0];
	s2 =	stileid.u32  }
0x17a: {  	s1 =	rddreg [dreg:$0x1];
	p0 =	sne.s32 s2, $0x0  }
0x17b: {  	s3 =	rddreg [dreg:$0x2];
	[bflag:$0x3] =	sbarrier.arrive $0xFFFF;
	s2 =	simm.s32 @!p0 $0x1C0C  }
0x17c: {  	[timem:s3], [sflag:s2] =	dma.local @!p0 [hbm:s0], s1  }
0x17d: {  	s0 =	simm.s32 @!p0 $0xC  }
0x17e: {  	_ =	swait.ge @!p0 [sflag:s0], s1  }
0x17f: {  	s1 =	ssub.s32 @!p0 $0x0, s1;
	[sflag:s0] =	ssyncset.done @!p0 $0x0  }
0x180: {  	[sflag:s0] =	ssyncadd.s32 @!p0 s1  }
0x181: {  	[bflag:$0x3] =	sbarrier.arrive $0xFFFF  }
0x182: {  	_ =	shalt  }

// kernel: sparse-core-data-format-call.cloned.1.call-start
scs
called_computation_lowered:
.L_overlay_start_0:
0x0: {  	s2 =	sld [smem:$0x3FD9]  }
0x1: {  	s3 =	sld [smem:$0x3FFE];
	_ =	sdelay $0x1  }
0x2: {  	s1 =	srdreg.scid  }
0x3: {  	s0 =	sand.u32 $0x1, s1  }
0x4: {  	s18 =	sshll.u32 s0, $0xA;
	s2 =	sadd.s32 s3, s2  }
0x5: {  	s2 =	sadd.s32 s2, s18  }
0x6: {  	[smem:$0x3FC2] =	sst s2  }
0x7: {  	_ = 	snop  }
0x8: {  	s2 =	sld [smem:$0x3FD0];
	(tm) =	ssettm $0x1  }
0x9: {  	s19 =	sld [smem:$0x3FFB];
	_ =	sdelay $0x3  }
0xa: {  	_ =	strace s19  }
0xb: {  	s3 =	sld [smem:$0x3FFC];
	_ =	sdelay $0x3  }
0xc: {  	_ =	strace s3  }
0xd: {  	s3 =	sld [smem:$0x3FFD];
	_ =	sdelay $0x3  }
0xe: {  	_ =	strace s3  }
0xf: {  	_ =	strace $0x8FFFFFFF  }
0x10: {  	s20 =	sld [smem:$0x3FDB];
	_ =	sdelay $0x1  }
0x11: {  	s4 =	simm.s32 $_scs_section_size  }
0x12: {  	s5 =	simm.s32 $_size__tile_overlayer_lowered;
	s6 =	simm.s32 $_tile_overlayer_lowered  }
0x13: {  	s23 =	simm.s32 $0x1BFF;
	s22 =	sshll.u32 s6, $0x1;
	s3 =	sadd.s32 s4, s20  }
0x14: {  	s7 =	simm.s32 $0x0;
	s21 =	sshll.u32 s5, $0x1;
	s5 =	sadd.s32 s22, s3  }
0x15: {  	[timem:s7], [sflag:s23] =	dma.local [hbm:s5], s21  }
0x16: {  	_ =	swait.ge [sflag:s23], s21  }
0x17: {  	s4 =	ssub.s32 $0x0, s21;
	[sflag:s23] =	ssyncset.done $0x0  }
0x18: {  	[sflag:s23] =	ssyncadd.s32 s4;
	_ =	sdelay $0x1  }
0x19: {  	s24 =	simm.s32 $0x1B8B  }
0x1a: {  	_ =	swait.ge [sflag:s24], $0x1  }
0x1b: {  	[sflag:s24] =	ssyncset.done $0x0  }
0x1c: {  	s26 =	simm.s32 $0x1B8E;
	s25 =	sld [smem:$0x3FFE];
	[sflag:s24] =	ssyncadd.s32 $0xFFFFFFFF  }
0x1d: {  	s27 =	simm.s32 $execute0_lowered;
	[smem:$0x3FD2] =	sst s26  }
0x1e: {  	s5 =	sshll.u32 s27, $0x1;
	_ =	strace $0x80000049;
	[dreg:$0x1] =	wrdreg $0xFFFFFFFF  }
0x1f: {  	s28 =	simm.s32 $_size_execute0_lowered;
	s3 =	sadd.s32 s3, s5;
	[dreg:$0x0] =	wrdreg $0x0  }
0x20: {  	s5 =	sshll.u32 s28, $0x1;
	[dreg:$0x2] =	wrdreg s3  }
0x21: {  	[dreg:$0x3] =	wrdreg s5  }
0x22: {  	[dreg:$0x4] =	wrdreg $0xC0  }
0x23: {  	_ =	task [dreg:s7], $0x5FFFF  }
0x24: {  	[dreg:$0x1] =	wrdreg $0xFFFFFFFF  }
0x25: {  	[dreg:$0x0] =	wrdreg $0x60  }
0x26: {  	[dreg:$0x2] =	wrdreg s25  }
0x27: {  	[dreg:$0x3] =	wrdreg s2  }
0x28: {  	[dreg:$0x4] =	wrdreg $0x9  }
0x29: {  	_ =	task.clear_ibuf [dreg:s7], $0x5FFFF;
	_ =	strace $0x90000049  }
0x2a: {  	s29 =	simm.s32 $0x9;
	_ =	strace $0x8000004B  }
0x2b: {  	_ =	swait.ge [sflag:s29], $0x1  }
0x2c: {  	[sflag:s29] =	ssyncadd.s32 $0xFFFFFFFF  }
0x2d: {  	_ =	strace $0x9000004B  }
0x2e: {  	_ =	sfence  }
0x2f: {  	s30 =	sld [smem:$0x0];
	_ =	sdelay $0x2  }
0x30: {  	s31 =	sshll.u32 s1, $0xD;
	s1 =	sshrl.u32 s1, $0x2  }
0x31: {  	s3 =	sand.u32 $0x4000, s31;
	s1 =	sadd.s32 s1, s30  }
0x32: {  	s0 =	sor.u32 s3, s0;
	s1 =	sshll.u32 s1, $0x11  }
0x33: {  	s0 =	sor.u32 s1, s0  }
0x34: {  	s0 =	sadd.s32 $0x8F2B, s0  }
0x35: {  	[sflag:s0] =	ssyncadd.remote.s32 $0x1  }
0x36: {  	_ =	sfence.sel $0xFFFF  }
0x37: {  	[dreg:$0x0] =	wrdreg $0xFFFFFFFF;
	(pc) =	sbr.abs _section_cstart, $3  }
0x38: {  	[dreg:$0x1] =	wrdreg $0xFFFFFFFF  }
0x39: {  	_ =	task.clear_ibuf [dreg:s7], $0x2FFFF;
	_ =	strace $0x9FFFFFFF  }
0x3a: {  	(tm) =	ssettm $0x7FFFFFFF  }
0x3b: {  	_ =	shalt  }
tec
execute0_lowered:
.L_overlay_start_1:
0x0: {  	(tag) =	ssettag $0x1  }
0x1: {  	s8 =	rddreg [dreg:$0x0]  }
0x2: {  	s2 =	rddreg [dreg:$0x1]  }
0x3: {  	s1 =	stileid.u32;
	s4 =	srdreg.scid  }
0x4: {  	s0 =	rddreg [dreg:$0x2];
	_ =	strace $0x8000004A;
	s9 =	simm.s32 $0x1  }
0x5: {  	s31 =	simm.s32 $0x2;
	s14 =	simm.s32 $0x0;
	s15 =	simm.s32 $0x0  }
0x6: {  	s13 =	simm.s32 $0x0;
	s3 =	sshll.u32 s1, $0x1;
	s4 =	sshll.u32 s4, $0x7  }
0x7: {  	s4 =	sand.u32 $0x80, s4;
	s5 =	ssub.s32 $0x20, s3;
	s12 =	smov.u32 s3  }
0x8: {  	s6 =	sshrl.u32 s5, $0x5;
	s5 =	sand.u32 $0x1E, s5;
	s7 =	ssub.s32 $0x2000, s4  }
0x9: {  	p0 =	sne.s32 s5, $0x0;
	s30 =	sshrl.u32 s7, $0x7;
	s7 =	sshrl.u32 s7, $0x8  }
.Ltmp0:
0xa: {  	s9 =	simm.s32 @!p0 $0x0;
	s10 =	sand.u32 $0x1, s30;
	(pc) =	sbr.rel .LBB1_1-.Ltmp0, $4  }
0xb: {  	s5 =	simm.s32 $0x1;
	s6 =	sadd.s32 s9, s6;
	s7 =	sadd.s32 s7, s10  }
0xc: {  	s11 =	smov.u32 s4;
	[sflag:s5] =	ssyncpa.u1 $0x0;
	s6 =	smul.u32 s6, s7  }
0xd: {  	p0 =	por $0x0, $0x0;
	[sflag:s31] =	ssyncpa.u1 $0x0;
	s10 =	simm.s32 $0x10000  }
0xe: {  	s7 =	sadd.s32 $0x1000, s8;
	s8 =	sadd.s32 $0x21000, s8;
	s9 =	sadd.s32 $0x1, s6  }
.LBB1_7:
0xf: {  	s16 =	sadd.s32 $0x100, s11  }
0x10: {  	s14 =	sadd.s32 $0x20, s12;
	s18 =	smov.u32 s12;
	p2 =	sgt.s32 s16, $0x1FFF  }
0x11: {  	s18 =	smov.u32 @p2 s14  }
0x12: {  	s16 =	smov.u32 @p2 s4;
	p2 =	sgt.s32 s18, $0x1F  }
0x13: {  	s18 =	smov.u32 @p2 s3;
	p2 =	sne.s32 s13, s9  }
.Ltmp1:
0x14: {  	p1 =	slt.u32 s13, $0x2;
	(pc) =	sbr.rel @!p2 .LBB1_8-.Ltmp1, $4  }
0x15: {  	s17 =	simm.s32 @!p1 $0x2  }
0x16: {  	s15 =	smov.u32 s12;
	p0 =	por !p0, !p0;
	_ =	swait.ge @!p1 [sflag:s17], $0x4000  }
0x17: {  	s14 =	smov.u32 s11;
	[sflag:s17] =	ssyncset.done @!p1 $0x0;
	s11 =	smov.u32 s16  }
0x18: {  	s13 =	sadd.s32 $0x1, s13;
	[sflag:s17] =	ssyncadd.s32 @!p1 $0xFFFFC000;
	s12 =	smov.u32 s18  }
.LBB1_1:
0x19: {  	p1 =	sge.u32 s13, s6  }
0x1a: {  	s16 =	sxor.u32 @!p1 $0xFFFFFFFF, s13;
	s17 =	sshll.u32 @!p1 s12, $0x11  }
0x1b: {  	s18 =	sshll.u32 @!p1 s11, $0x4;
	s20 =	simm.s32 @!p1 $0x40;
	s21 =	simm.s32 @!p1 $0x80  }
0x1c: {  	s16 =	sshll.u32 @!p1 s16, $0xE;
	s18 =	sand.u32 @!p1 $0x1FFF0, s18;
	s19 =	sadd.s32 @!p1 s7, s17  }
0x1d: {  	s17 =	sadd.s32 @!p1 s17, s8;
	s16 =	sand.u32 @!p1 $0x4000, s16;
	s19 =	sadd.s32 @!p1 s18, s19  }
0x1e: {  	[tilespmem:s16], [sflag:$0x1] =	stream.strided.gather @!p1 [hbm4b:s19+s20], $0x2000, s21, s20, $0x38;
	[tilespmem:$0x10100] =	vst v63  }
0x1f: {  	s31 =	sadd.s32 $0xFFFFFFFF, s13;
	s17 =	sadd.s32 @!p1 s18, s17;
	s16 =	sor.u32 @!p1 $0x2000, s16  }
0x20: {  	[tilespmem:s16], [sflag:$0x1] =	stream.strided.gather @!p1 [hbm4b:s17+s20], $0x2000, s21, s20, $0x38;
	[tilespmem:$0x10100] =	vst v63  }
0x21: {  	p1 =	sge.u32 s31, s6  }
.Ltmp2:
0x22: {  	_ = 	snop;
	(pc) =	sbr.rel @p1 .LBB1_7-.Ltmp2, $1  }
0x23: {  	_ =	sdelay $0x3  }
0x24: {  	s16 =	simm.s32 $0x1;
	s18 =	sand.u32 $0x1, s13  }
0x25: {  	_ =	swait.ge [sflag:s5], $0x4000;
	s16 =	simm.s32 @!p0 $0x0;
	s18 =	smul.u32 $0x10200, s18  }
0x26: {  	p2 =	por $0x1, $0x1;
	[sflag:s5] =	ssyncset.done $0x0;
	s17 =	smul.u32 $0x10200, s16  }
0x27: {  	s19 =	sshll.u32 s16, $0x10;
	[sflag:s5] =	ssyncadd.s32 $0xFFFFC000;
	s30 =	sshrl.u32 s18, $0x2  }
0x28: {  	s31 =	sshrl.u32 s19, $0x2;
	s19 =	simm.s32 $0x0;
	s17 =	sshrl.u32 s17, $0x2  }
0x29: {  	s16 =	sor.u32 $0x8000, s30;
	s18 =	sadd.s32 $0x20, s31;
	s17 =	sor.u32 $0x8000, s17  }
.LBB1_3:
0x2a: {  	s20 =	sshll.u32 s19, $0xD  }
0x2b: {  	s20 =	sand.u32 $0x3FFFE000, s20  }
0x2c: {  	s22 =	sadd.s32 s20, s18  }
0x2d: {  	s31 =	smul.u32 $0x8100, s19;
	v3 =	vld [tilespmem:s22+$0x10]  }
0x2e: {  	v1 =	vld [tilespmem:s22+$0xFFFFFFF0]  }
0x2f: {  	s19 =	sshra.s32 s31, $0x2;
	v0 =	vld [tilespmem:s22+$0x0]  }
0x30: {  	s19 =	sadd.s32 s19, s17;
	v2 =	vld [tilespmem:s22+$0xFFFFFFE0]  }
0x31: {  	s20 =	sadd.s32 $0x0, s19  }
0x32: {  	p1 =	por p2, p2;
	s21 =	simm.s32 $0x4;
	s22 =	sadd.s32 $0x40, s22;
	[tilespmem:s20+$0x1830 ss:$0x81] =	vst.msk $0xffff, v3  }
.LBB1_4:
0x33: {  	v3 =	vld [tilespmem:s22+$0x10];
	p2 =	sne.s32 s21, $0x1FC;
	[tilespmem:s20+$0x810 ss:$0x81] =	vst.msk $0xffff, v1;
	s23 =	smov.u32 s21;
	s21 =	sadd.s32 $0x4, s21  }
.Ltmp3:
0x34: {  	v1 =	vld [tilespmem:s22+$0xFFFFFFF0];
	[tilespmem:s20+$0x1020 ss:$0x81] =	vst.msk $0xffff, v0;
	(pc) =	sbr.rel @p2 .LBB1_4-.Ltmp3, $4  }
0x35: {  	v0 =	vld [tilespmem:s22+$0x0];
	[tilespmem:s20+$0x0 ss:$0x81] =	vst.msk $0xffff, v2  }
0x36: {  	s20 =	sshra.s32 s23, $0x2;
	v2 =	vld [tilespmem:s22+$0xFFFFFFE0]  }
0x37: {  	s20 =	sadd.s32 s20, s19  }
0x38: {  	s22 =	sadd.s32 $0x40, s22;
	[tilespmem:s20+$0x1830 ss:$0x81] =	vst.msk $0xffff, v3  }
.Ltmp4:
0x39: {  	(pc) =	sbr.rel @p1 .LBB1_3-.Ltmp4, $4  }
0x3a: {  	_ = 	snop  }
0x3b: {  	[tilespmem:s20+$0x810 ss:$0x81] =	vst.msk $0xffff, v1  }
0x3c: {  	[tilespmem:s20+$0x1020 ss:$0x81] =	vst.msk $0xffff, v0  }
0x3d: {  	s19 =	simm.s32 $0x1;
	p2 =	por $0x0, $0x0;
	[tilespmem:s20+$0x0 ss:$0x81] =	vst.msk $0xffff, v2  }
0x3e: {  	s17 =	sshll.u32 s14, $0x3;
	s18 =	sand.u32 $0x78, s14;
	s15 =	sshll.u32 s15, $0x10  }
.Ltmp5:
0x3f: {  	s30 =	sand.u32 $0xFC00, s14;
	s17 =	sand.u32 $0x1C00, s17;
	(pc) =	sbr.rel .LBB1_7-.Ltmp5, $4  }
0x40: {  	s31 =	sand.u32 $0x7, s14;
	s15 =	sadd.s32 s2, s15;
	s17 =	sor.u32 s18, s17  }
0x41: {  	s14 =	sshll.u32 s31, $0x12;
	s15 =	sadd.s32 s30, s15;
	s17 =	sshrl.u32 s17, $0x3  }
0x42: {  	s14 =	sor.u32 $0x400, s14;
	s15 =	sadd.s32 s17, s15  }
0x43: {  	[hbm4b:s15+s14] =	stream.strided.scatter [tilespmem:s16], [sflag:$0x2], $0x4000, s10, s14, $0x20;
	[tilespmem:$0x10100] =	vst v63  }
.LBB1_8:
0x44: {  	_ =	sfence.sel $0x180000  }
0x45: {  	s2 =	simm.s32 $0x1;
	[bflag:$0x0] =	sbarrier.arrive $0xFFFF  }
0x46: {  	s31 =	simm.s32 $0x2;
	[sflag:s2] =	ssyncpa.u1 $0x1  }
0x47: {  	[sflag:s31] =	ssyncpa.u1 $0x1  }
0x48: {  	p0 =	sne.s32 s1, $0x0;
	_ =	strace $0x9000004A  }
0x49: {  	s0 =	sadd.s32 @!p0 $0x100000, s0;
	[bflag:$0x2] =	sbarrier.arrive $0xFFFF  }
0x4a: {  	[sflag:s0] =	ssyncadd.tile.s32 @!p0 $0x1;
	_ =	shalt  }
.Lfunc_end1:
_tile_overlayer_lowered:
.L_overlay_start_2:
0x4b: {  	(tag) =	ssettag $0x2  }
0x4c: {  	s0 =	rddreg [dreg:$0x0];
	s2 =	stileid.u32  }
0x4d: {  	s1 =	rddreg [dreg:$0x1];
	p0 =	sne.s32 s2, $0x0  }
0x4e: {  	s3 =	rddreg [dreg:$0x2];
	[bflag:$0x3] =	sbarrier.arrive $0xFFFF;
	s2 =	simm.s32 @!p0 $0x1C01  }
0x4f: {  	[timem:s3], [sflag:s2] =	dma.local @!p0 [hbm:s0], s1  }
0x50: {  	s0 =	simm.s32 @!p0 $0x1  }
0x51: {  	_ =	swait.ge @!p0 [sflag:s0], s1  }
0x52: {  	s1 =	ssub.s32 @!p0 $0x0, s1;
	[sflag:s0] =	ssyncset.done @!p0 $0x0  }
0x53: {  	[sflag:s0] =	ssyncadd.s32 @!p0 s1  }
0x54: {  	[bflag:$0x3] =	sbarrier.arrive $0xFFFF  }
0x55: {  	_ =	shalt  }

</sc_bundles>
